<compile_context>
chip_gen: v7x
topology: tpu7x:2x2x1
jax: 0.10.2.dev20260603
libtpu: 0.0.44.dev20260713+nightly
codegen_flags: <defaults>
</compile_context>

<pallas_src>
import functools

import jax
import jax.numpy as jnp
from jax import lax
from jax.experimental import pallas as pl
from jax.experimental.pallas import tpu as pltpu
from jax.experimental.pallas import tpu_sc as plsc

N = 10000
NP = 10240
D = 128
E = 320000

NC = 2
NS = 16
NW = NC * NS
CHUNK = 80
E_PER_TILE = E // NW
NCHUNK = E_PER_TILE // CHUNK
BLK = 25
NBLK = NCHUNK // BLK
ROWS_PER_TILE = NP // NS

_mesh = plsc.VectorSubcoreMesh(
    core_axis_name="c", subcore_axis_name="s", num_cores=NC, num_subcores=NS)


def _fill_rows(buf, rows, width, value):
    vec = jnp.full((16,), value, jnp.float32)

    def body(i, carry):
        for j in range(width // 16):
            buf[i, pl.ds(j * 16, 16)] = vec
        return carry

    lax.fori_loop(0, rows, body, 0)


def _deg_body(dst_hbm, out_hbm, dst_v, buf_v, deg_sh):
    c = lax.axis_index("c")
    s = lax.axis_index("s")
    wid = s * NC + c
    _fill_rows(buf_v, CHUNK, D, 0.0)
    for r in range(ROWS_PER_TILE // CHUNK):
        pltpu.sync_copy(buf_v, deg_sh.at[pl.ds(s * ROWS_PER_TILE + r * CHUNK, CHUNK)])
    _fill_rows(buf_v, CHUNK, D, 1.0)
    plsc.subcore_barrier()

    def blk_body(b, carry):
        pltpu.sync_copy(dst_hbm.at[wid, b], dst_v)

        def step(k, carry2):
            pltpu.sync_copy(buf_v, deg_sh.at[dst_v.at[k]], add=True)
            return carry2

        return lax.fori_loop(0, BLK, step, carry)

    lax.fori_loop(0, NBLK, blk_body, 0)
    plsc.subcore_barrier()
    pltpu.sync_copy(
        deg_sh.at[pl.ds(s * ROWS_PER_TILE, ROWS_PER_TILE)],
        out_hbm.at[c, pl.ds(s * ROWS_PER_TILE, ROWS_PER_TILE)],
    )


def _msg_body(z_hbm, src_hbm, dst_hbm, out_hbm, src_v, dst_v, gbuf,
              agg_sh, sem):
    c = lax.axis_index("c")
    s = lax.axis_index("s")
    wid = s * NC + c
    _fill_rows(gbuf, CHUNK, D, 0.0)
    for r in range(ROWS_PER_TILE // CHUNK):
        pltpu.sync_copy(gbuf, agg_sh.at[pl.ds(s * ROWS_PER_TILE + r * CHUNK, CHUNK)])
    plsc.subcore_barrier()

    def blk_body(b, carry):
        pltpu.sync_copy(src_hbm.at[wid, b], src_v)
        pltpu.sync_copy(dst_hbm.at[wid, b], dst_v)

        def step(k, carry2):
            pltpu.async_copy(z_hbm.at[src_v.at[k]], gbuf, sem).wait()
            pltpu.sync_copy(gbuf, agg_sh.at[dst_v.at[k]], add=True)
            return carry2

        return lax.fori_loop(0, BLK, step, carry)

    lax.fori_loop(0, NBLK, blk_body, 0)
    plsc.subcore_barrier()
    pltpu.sync_copy(
        agg_sh.at[pl.ds(s * ROWS_PER_TILE, ROWS_PER_TILE)],
        out_hbm.at[c, pl.ds(s * ROWS_PER_TILE, ROWS_PER_TILE)],
    )


def _make_deg_kernel(interpret=False):
    return pl.kernel(
        _deg_body,
        out_type=jax.ShapeDtypeStruct((NC, NP, D), jnp.float32),
        mesh=_mesh,
        scratch_types=[
            pltpu.VMEM((BLK, CHUNK), jnp.int32),
            pltpu.VMEM((CHUNK, D), jnp.float32),
            pltpu.VMEM_SHARED((NP, D), jnp.float32),
        ],
        interpret=interpret,
    )


def _make_msg_kernel(interpret=False):
    return pl.kernel(
        _msg_body,
        out_type=jax.ShapeDtypeStruct((NC, NP, D), jnp.float32),
        mesh=_mesh,
        scratch_types=[
            pltpu.VMEM((BLK, CHUNK), jnp.int32),
            pltpu.VMEM((BLK, CHUNK), jnp.int32),
            pltpu.VMEM((CHUNK, D), jnp.float32),
            pltpu.VMEM_SHARED((NP, D), jnp.float32),
            pltpu.SemaphoreType.DMA,
        ],
        interpret=interpret,
    )


_deg_kernel = _make_deg_kernel()
_msg_kernel = _make_msg_kernel()


def _dinv_from_parts(dp_ref):
    dp0 = dp_ref[0, 0:N, 0:1]
    dp1 = dp_ref[1, 0:N, 0:1]
    return lax.rsqrt(dp0 + dp1 + 1.0)


def _cat_agg(agg_ref):
    return agg_ref[0, 0:N, :] + agg_ref[1, 0:N, :]


def _tc1_body(x_ref, w_ref, dp_ref, z_ref):
    dinv = _dinv_from_parts(dp_ref)
    z_ref[...] = dinv * jnp.dot(x_ref[...], w_ref[...],
                                preferred_element_type=jnp.float32)


def _tc2_body(agg_ref, z1_ref, dp_ref, b1_ref, w2_ref, z2_ref):
    dinv = _dinv_from_parts(dp_ref)
    pre = dinv * (_cat_agg(agg_ref) + z1_ref[...]) + b1_ref[...]
    h = jnp.maximum(pre, 0.0)
    z2_ref[...] = dinv * jnp.dot(h, w2_ref[...],
                                 preferred_element_type=jnp.float32)


def _tc3_body(agg_ref, z2_ref, dp_ref, b2_ref, out_ref):
    dinv = _dinv_from_parts(dp_ref)
    out_ref[...] = dinv * (_cat_agg(agg_ref) + z2_ref[...]) + b2_ref[...]


_tc1 = pl.pallas_call(
    _tc1_body, out_shape=jax.ShapeDtypeStruct((N, D), jnp.float32))
_tc2 = pl.pallas_call(
    _tc2_body, out_shape=jax.ShapeDtypeStruct((N, D), jnp.float32))
_tc3 = pl.pallas_call(
    _tc3_body, out_shape=jax.ShapeDtypeStruct((N, D), jnp.float32))


def kernel(x, edge_index, W1, b1, W2, b2):
    ei = edge_index.astype(jnp.int32)
    src = ei[0].reshape(NW, NBLK, BLK, CHUNK)
    dst = ei[1].reshape(NW, NBLK, BLK, CHUNK)
    b1r = b1.reshape(1, D)
    b2r = b2.reshape(1, D)

    deg_part = _deg_kernel(dst)
    z1 = _tc1(x, W1, deg_part)
    agg1 = _msg_kernel(z1, src, dst)
    z2 = _tc2(agg1, z1, deg_part, b1r, W2)
    agg2 = _msg_kernel(z2, src, dst)
    out = _tc3(agg2, z2, deg_part, b2r)
    return out

# --- scband reference (transcript-rebuilt; emitter-appended) ---
"""Pipeline reference for scband-gnnmodel-20272245637468 (READ-ONLY COPY).

The authoritative reference and input builder live on the scoring server;
editing this copy changes nothing except your own understanding.
"""

import jax, jax.numpy as jnp
import numpy as np

NUM_NODES = 10000
D_IN = 128
D_HID = 128
D_OUT = 128
N_EDGES = 320000


def gcn_conv(x, edge_index, W, b, num_nodes):
    # Faithful GCNConv: add self-loops, symmetric normalization D^{-1/2}(A+I)D^{-1/2} X W + b
    src = edge_index[0]
    dst = edge_index[1]
    loop = jnp.arange(num_nodes, dtype=src.dtype)
    src = jnp.concatenate([src, loop], axis=0)
    dst = jnp.concatenate([dst, loop], axis=0)
    deg = jnp.zeros((num_nodes,), dtype=x.dtype).at[dst].add(1.0)
    deg_inv_sqrt = jnp.where(deg > 0, jax.lax.rsqrt(jnp.maximum(deg, 1e-12)), 0.0)
    norm = deg_inv_sqrt[src] * deg_inv_sqrt[dst]
    xw = x @ W
    msg = xw[src] * norm[:, None]
    out = jax.ops.segment_sum(msg, dst, num_segments=num_nodes)
    return out + b


def setup_inputs(seed: int = 0) -> dict:
    key = jax.random.key(seed)
    k1, k2, k3, k4, k5 = jax.random.split(key, 5)
    x = jax.random.normal(k1, (NUM_NODES, D_IN), dtype=jnp.float32)
    edge_index = jax.random.randint(k2, (2, N_EDGES), 0, NUM_NODES, dtype=jnp.int64)
    # Glorot-style init for GCN weights
    W1 = jax.random.normal(k3, (D_IN, D_HID), dtype=jnp.float32) * (1.0 / np.sqrt(D_IN))
    b1 = jnp.zeros((D_HID,), dtype=jnp.float32)
    W2 = jax.random.normal(k4, (D_HID, D_OUT), dtype=jnp.float32) * (1.0 / np.sqrt(D_HID))
    b2 = jnp.zeros((D_OUT,), dtype=jnp.float32)
    return {"x": x, "edge_index": edge_index, "W1": W1, "b1": b1, "W2": W2, "b2": b2}


def reference(x, edge_index, W1, b1, W2, b2):
    h = gcn_conv(x, edge_index, W1, b1, NUM_NODES)
    h = jax.nn.relu(h)
    out = gcn_conv(h, edge_index, W2, b2, NUM_NODES)
    return out

if __name__ == "__main__":
    import jax
    _d = setup_inputs()
    print(jax.jit(kernel)(*tuple(_d.values())))

</pallas_src>

<mosaic_0001>
#map = affine_map<(d0, d1) -> (0, 0)>
#map1 = affine_map<(d0, d1) -> (0, 0, 0, 0)>
#map2 = affine_map<(d0, d1) -> (0, 0, 0)>
module attributes {stable_mosaic.version = 14 : i64} {
  func.func @_msg_body(%arg0: i32, %arg1: i32, %arg2: memref<10000x128xf32, #tpu.memory_space<hbm>>, %arg3: memref<32x5x25x80xi32, #tpu.memory_space<hbm>>, %arg4: memref<32x5x25x80xi32, #tpu.memory_space<hbm>>, %arg5: memref<2x10240x128xf32, #tpu.memory_space<hbm>>, %arg6: memref<25x80xi32, #tpu.memory_space<vmem>>, %arg7: memref<25x80xi32, #tpu.memory_space<vmem>>, %arg8: memref<80x128xf32, #tpu.memory_space<vmem>>, %arg9: memref<10240x128xf32, #tpu.memory_space<vmem_shared>>, %arg10: memref<!tpu.dma_semaphore, #tpu.memory_space<semaphore_mem>>) attributes {dimension_semantics = [#tpu.dimension_semantics<core_parallel>, #tpu.dimension_semantics<subcore_parallel>], iteration_bounds = array<i64: 2, 16>, scalar_prefetch = 0 : i64, scratch_operands = 5 : i64, tpu.core_type = #tpu.core_type<sc_vector_subcore>, window_params = [{transform_indices = #map}, {transform_indices = #map1}, {transform_indices = #map1}, {transform_indices = #map2}]} {
    %mul3A = arith.constant 2 : i32
    %mul3A_0 = arith.muli %arg1, %mul3A : i32
    %add3A = arith.addi %mul3A_0, %arg0 : i32
    %broadcast_in_dim3A = arith.constant 0.000000e+00 : f32
    %broadcast_in_dim3A_1 = vector.broadcast %broadcast_in_dim3A : f32 to vector<16xf32>
    %scan3A = arith.constant 0 : i32
    %scan3A_2 = arith.constant 0 : i32
    %scan3A_3 = arith.constant 80 : i32
    %scan3A_4 = arith.addi %scan3A_2, %scan3A_3 : i32
    %scan3A_5 = arith.constant 1 : i32
    scf.for %scan3A_50 = %scan3A_2 to %scan3A_4 step %scan3A_5  : i32 {
      %swap3A = arith.index_cast %scan3A_50 : i32 to index
      %swap3A_51 = arith.constant 0 : index
      %swap3A_52 = tpu.vector_load %arg8[%swap3A, %swap3A_51] {strides = array<i32>} : memref<80x128xf32, #tpu.memory_space<vmem>>, vector<1x16xf32>,
      %swap3A_53 = vector.shape_cast %swap3A_52 : vector<1x16xf32> to vector<16xf32>
      %swap3A_54 = vector.shape_cast %broadcast_in_dim3A_1 : vector<16xf32> to vector<1x16xf32>
      tpu.vector_store %arg8[%swap3A, %swap3A_51], %swap3A_54 {strides = array<i32>} : memref<80x128xf32, #tpu.memory_space<vmem>>, vector<1x16xf32>,
      %swap3A_55 = arith.index_cast %scan3A_50 : i32 to index
      %swap3A_56 = arith.constant 16 : index
      %swap3A_57 = tpu.vector_load %arg8[%swap3A_55, %swap3A_56] {strides = array<i32>} : memref<80x128xf32, #tpu.memory_space<vmem>>, vector<1x16xf32>,
      %swap3A_58 = vector.shape_cast %swap3A_57 : vector<1x16xf32> to vector<16xf32>
      %swap3A_59 = vector.shape_cast %broadcast_in_dim3A_1 : vector<16xf32> to vector<1x16xf32>
      tpu.vector_store %arg8[%swap3A_55, %swap3A_56], %swap3A_59 {strides = array<i32>} : memref<80x128xf32, #tpu.memory_space<vmem>>, vector<1x16xf32>,
      %swap3A_60 = arith.index_cast %scan3A_50 : i32 to index
      %swap3A_61 = arith.constant 32 : index
      %swap3A_62 = tpu.vector_load %arg8[%swap3A_60, %swap3A_61] {strides = array<i32>} : memref<80x128xf32, #tpu.memory_space<vmem>>, vector<1x16xf32>,
      %swap3A_63 = vector.shape_cast %swap3A_62 : vector<1x16xf32> to vector<16xf32>
      %swap3A_64 = vector.shape_cast %broadcast_in_dim3A_1 : vector<16xf32> to vector<1x16xf32>
      tpu.vector_store %arg8[%swap3A_60, %swap3A_61], %swap3A_64 {strides = array<i32>} : memref<80x128xf32, #tpu.memory_space<vmem>>, vector<1x16xf32>,
      %swap3A_65 = arith.index_cast %scan3A_50 : i32 to index
      %swap3A_66 = arith.constant 48 : index
      %swap3A_67 = tpu.vector_load %arg8[%swap3A_65, %swap3A_66] {strides = array<i32>} : memref<80x128xf32, #tpu.memory_space<vmem>>, vector<1x16xf32>,
      %swap3A_68 = vector.shape_cast %swap3A_67 : vector<1x16xf32> to vector<16xf32>
      %swap3A_69 = vector.shape_cast %broadcast_in_dim3A_1 : vector<16xf32> to vector<1x16xf32>
      tpu.vector_store %arg8[%swap3A_65, %swap3A_66], %swap3A_69 {strides = array<i32>} : memref<80x128xf32, #tpu.memory_space<vmem>>, vector<1x16xf32>,
      %swap3A_70 = arith.index_cast %scan3A_50 : i32 to index
      %swap3A_71 = arith.constant 64 : index
      %swap3A_72 = tpu.vector_load %arg8[%swap3A_70, %swap3A_71] {strides = array<i32>} : memref<80x128xf32, #tpu.memory_space<vmem>>, vector<1x16xf32>,
      %swap3A_73 = vector.shape_cast %swap3A_72 : vector<1x16xf32> to vector<16xf32>
      %swap3A_74 = vector.shape_cast %broadcast_in_dim3A_1 : vector<16xf32> to vector<1x16xf32>
      tpu.vector_store %arg8[%swap3A_70, %swap3A_71], %swap3A_74 {strides = array<i32>} : memref<80x128xf32, #tpu.memory_space<vmem>>, vector<1x16xf32>,
      %swap3A_75 = arith.index_cast %scan3A_50 : i32 to index
      %swap3A_76 = arith.constant 80 : index
      %swap3A_77 = tpu.vector_load %arg8[%swap3A_75, %swap3A_76] {strides = array<i32>} : memref<80x128xf32, #tpu.memory_space<vmem>>, vector<1x16xf32>,
      %swap3A_78 = vector.shape_cast %swap3A_77 : vector<1x16xf32> to vector<16xf32>
      %swap3A_79 = vector.shape_cast %broadcast_in_dim3A_1 : vector<16xf32> to vector<1x16xf32>
      tpu.vector_store %arg8[%swap3A_75, %swap3A_76], %swap3A_79 {strides = array<i32>} : memref<80x128xf32, #tpu.memory_space<vmem>>, vector<1x16xf32>,
      %swap3A_80 = arith.index_cast %scan3A_50 : i32 to index
      %swap3A_81 = arith.constant 96 : index
      %swap3A_82 = tpu.vector_load %arg8[%swap3A_80, %swap3A_81] {strides = array<i32>} : memref<80x128xf32, #tpu.memory_space<vmem>>, vector<1x16xf32>,
      %swap3A_83 = vector.shape_cast %swap3A_82 : vector<1x16xf32> to vector<16xf32>
      %swap3A_84 = vector.shape_cast %broadcast_in_dim3A_1 : vector<16xf32> to vector<1x16xf32>
      tpu.vector_store %arg8[%swap3A_80, %swap3A_81], %swap3A_84 {strides = array<i32>} : memref<80x128xf32, #tpu.memory_space<vmem>>, vector<1x16xf32>,
      %swap3A_85 = arith.index_cast %scan3A_50 : i32 to index
      %swap3A_86 = arith.constant 112 : index
      %swap3A_87 = tpu.vector_load %arg8[%swap3A_85, %swap3A_86] {strides = array<i32>} : memref<80x128xf32, #tpu.memory_space<vmem>>, vector<1x16xf32>,
      %swap3A_88 = vector.shape_cast %swap3A_87 : vector<1x16xf32> to vector<16xf32>
      %swap3A_89 = vector.shape_cast %broadcast_in_dim3A_1 : vector<16xf32> to vector<1x16xf32>
      tpu.vector_store %arg8[%swap3A_85, %swap3A_86], %swap3A_89 {strides = array<i32>} : memref<80x128xf32, #tpu.memory_space<vmem>>, vector<1x16xf32>,
    }
    %scan3A_6 = arith.constant 80 : i32
    %mul3A_7 = arith.constant 640 : i32
    %mul3A_8 = arith.muli %arg1, %mul3A_7 : i32
    %add3A_9 = arith.constant 0 : i32
    %add3A_10 = arith.addi %mul3A_8, %add3A_9 : i32
    "tpu.region"() ({
      %run_scoped3A = tpu.sem_alloc : memref<!tpu.dma_semaphore, #tpu.memory_space<semaphore_mem>>
      %dma_start3A = arith.constant 0 : i32
      %dma_start3A_50 = tpu.memref_slice %arg9[%add3A_10, %dma_start3A] : memref<10240x128xf32, #tpu.memory_space<vmem_shared>> -> memref<80x128xf32, #tpu.memory_space<vmem_shared>>
      %dma_start3A_51 = arith.constant 0 : i32
      %dma_start3A_52 = tpu.memref_slice %arg9[%add3A_10, %dma_start3A_51] : memref<10240x128xf32, #tpu.memory_space<vmem_shared>> -> memref<80x128xf32, #tpu.memory_space<vmem_shared>>
      tpu.enqueue_dma source(%arg8 : memref<80x128xf32, #tpu.memory_space<vmem>>) target(%dma_start3A_52 : memref<80x128xf32, #tpu.memory_space<vmem_shared>>) target_semaphore(%run_scoped3A : memref<!tpu.dma_semaphore, #tpu.memory_space<semaphore_mem>>)
      %dma_wait3A = arith.constant 0 : i32
      %dma_wait3A_53 = tpu.memref_slice %arg9[%add3A_10, %dma_wait3A] : memref<10240x128xf32, #tpu.memory_space<vmem_shared>> -> memref<80x128xf32, #tpu.memory_space<vmem_shared>>
      %dma_wait3A_54 = arith.constant 0 : i32
      %dma_wait3A_55 = tpu.memref_slice %arg9[%add3A_10, %dma_wait3A_54] : memref<10240x128xf32, #tpu.memory_space<vmem_shared>> -> memref<80x128xf32, #tpu.memory_space<vmem_shared>>
      tpu.wait_dma2 semaphore(%run_scoped3A : memref<!tpu.dma_semaphore, #tpu.memory_space<semaphore_mem>>) src(%arg8 : memref<80x128xf32, #tpu.memory_space<vmem>>) dst(%dma_wait3A_55 : memref<80x128xf32, #tpu.memory_space<vmem_shared>>)
      tpu.yield
    }) : () -> ()
    %mul3A_11 = arith.constant 640 : i32
    %mul3A_12 = arith.muli %arg1, %mul3A_11 : i32
    %add3A_13 = arith.constant 80 : i32
    %add3A_14 = arith.addi %mul3A_12, %add3A_13 : i32
    "tpu.region"() ({
      %run_scoped3A = tpu.sem_alloc : memref<!tpu.dma_semaphore, #tpu.memory_space<semaphore_mem>>
      %dma_start3A = arith.constant 0 : i32
      %dma_start3A_50 = tpu.memref_slice %arg9[%add3A_14, %dma_start3A] : memref<10240x128xf32, #tpu.memory_space<vmem_shared>> -> memref<80x128xf32, #tpu.memory_space<vmem_shared>>
      %dma_start3A_51 = arith.constant 0 : i32
      %dma_start3A_52 = tpu.memref_slice %arg9[%add3A_14, %dma_start3A_51] : memref<10240x128xf32, #tpu.memory_space<vmem_shared>> -> memref<80x128xf32, #tpu.memory_space<vmem_shared>>
      tpu.enqueue_dma source(%arg8 : memref<80x128xf32, #tpu.memory_space<vmem>>) target(%dma_start3A_52 : memref<80x128xf32, #tpu.memory_space<vmem_shared>>) target_semaphore(%run_scoped3A : memref<!tpu.dma_semaphore, #tpu.memory_space<semaphore_mem>>)
      %dma_wait3A = arith.constant 0 : i32
      %dma_wait3A_53 = tpu.memref_slice %arg9[%add3A_14, %dma_wait3A] : memref<10240x128xf32, #tpu.memory_space<vmem_shared>> -> memref<80x128xf32, #tpu.memory_space<vmem_shared>>
      %dma_wait3A_54 = arith.constant 0 : i32
      %dma_wait3A_55 = tpu.memref_slice %arg9[%add3A_14, %dma_wait3A_54] : memref<10240x128xf32, #tpu.memory_space<vmem_shared>> -> memref<80x128xf32, #tpu.memory_space<vmem_shared>>
      tpu.wait_dma2 semaphore(%run_scoped3A : memref<!tpu.dma_semaphore, #tpu.memory_space<semaphore_mem>>) src(%arg8 : memref<80x128xf32, #tpu.memory_space<vmem>>) dst(%dma_wait3A_55 : memref<80x128xf32, #tpu.memory_space<vmem_shared>>)
      tpu.yield
    }) : () -> ()
    %mul3A_15 = arith.constant 640 : i32
    %mul3A_16 = arith.muli %arg1, %mul3A_15 : i32
    %add3A_17 = arith.constant 160 : i32
    %add3A_18 = arith.addi %mul3A_16, %add3A_17 : i32
    "tpu.region"() ({
      %run_scoped3A = tpu.sem_alloc : memref<!tpu.dma_semaphore, #tpu.memory_space<semaphore_mem>>
      %dma_start3A = arith.constant 0 : i32
      %dma_start3A_50 = tpu.memref_slice %arg9[%add3A_18, %dma_start3A] : memref<10240x128xf32, #tpu.memory_space<vmem_shared>> -> memref<80x128xf32, #tpu.memory_space<vmem_shared>>
      %dma_start3A_51 = arith.constant 0 : i32
      %dma_start3A_52 = tpu.memref_slice %arg9[%add3A_18, %dma_start3A_51] : memref<10240x128xf32, #tpu.memory_space<vmem_shared>> -> memref<80x128xf32, #tpu.memory_space<vmem_shared>>
      tpu.enqueue_dma source(%arg8 : memref<80x128xf32, #tpu.memory_space<vmem>>) target(%dma_start3A_52 : memref<80x128xf32, #tpu.memory_space<vmem_shared>>) target_semaphore(%run_scoped3A : memref<!tpu.dma_semaphore, #tpu.memory_space<semaphore_mem>>)
      %dma_wait3A = arith.constant 0 : i32
      %dma_wait3A_53 = tpu.memref_slice %arg9[%add3A_18, %dma_wait3A] : memref<10240x128xf32, #tpu.memory_space<vmem_shared>> -> memref<80x128xf32, #tpu.memory_space<vmem_shared>>
      %dma_wait3A_54 = arith.constant 0 : i32
      %dma_wait3A_55 = tpu.memref_slice %arg9[%add3A_18, %dma_wait3A_54] : memref<10240x128xf32, #tpu.memory_space<vmem_shared>> -> memref<80x128xf32, #tpu.memory_space<vmem_shared>>
      tpu.wait_dma2 semaphore(%run_scoped3A : memref<!tpu.dma_semaphore, #tpu.memory_space<semaphore_mem>>) src(%arg8 : memref<80x128xf32, #tpu.memory_space<vmem>>) dst(%dma_wait3A_55 : memref<80x128xf32, #tpu.memory_space<vmem_shared>>)
      tpu.yield
    }) : () -> ()
    %mul3A_19 = arith.constant 640 : i32
    %mul3A_20 = arith.muli %arg1, %mul3A_19 : i32
    %add3A_21 = arith.constant 240 : i32
    %add3A_22 = arith.addi %mul3A_20, %add3A_21 : i32
    "tpu.region"() ({
      %run_scoped3A = tpu.sem_alloc : memref<!tpu.dma_semaphore, #tpu.memory_space<semaphore_mem>>
      %dma_start3A = arith.constant 0 : i32
      %dma_start3A_50 = tpu.memref_slice %arg9[%add3A_22, %dma_start3A] : memref<10240x128xf32, #tpu.memory_space<vmem_shared>> -> memref<80x128xf32, #tpu.memory_space<vmem_shared>>
      %dma_start3A_51 = arith.constant 0 : i32
      %dma_start3A_52 = tpu.memref_slice %arg9[%add3A_22, %dma_start3A_51] : memref<10240x128xf32, #tpu.memory_space<vmem_shared>> -> memref<80x128xf32, #tpu.memory_space<vmem_shared>>
      tpu.enqueue_dma source(%arg8 : memref<80x128xf32, #tpu.memory_space<vmem>>) target(%dma_start3A_52 : memref<80x128xf32, #tpu.memory_space<vmem_shared>>) target_semaphore(%run_scoped3A : memref<!tpu.dma_semaphore, #tpu.memory_space<semaphore_mem>>)
      %dma_wait3A = arith.constant 0 : i32
      %dma_wait3A_53 = tpu.memref_slice %arg9[%add3A_22, %dma_wait3A] : memref<10240x128xf32, #tpu.memory_space<vmem_shared>> -> memref<80x128xf32, #tpu.memory_space<vmem_shared>>
      %dma_wait3A_54 = arith.constant 0 : i32
      %dma_wait3A_55 = tpu.memref_slice %arg9[%add3A_22, %dma_wait3A_54] : memref<10240x128xf32, #tpu.memory_space<vmem_shared>> -> memref<80x128xf32, #tpu.memory_space<vmem_shared>>
      tpu.wait_dma2 semaphore(%run_scoped3A : memref<!tpu.dma_semaphore, #tpu.memory_space<semaphore_mem>>) src(%arg8 : memref<80x128xf32, #tpu.memory_space<vmem>>) dst(%dma_wait3A_55 : memref<80x128xf32, #tpu.memory_space<vmem_shared>>)
      tpu.yield
    }) : () -> ()
    %mul3A_23 = arith.constant 640 : i32
    %mul3A_24 = arith.muli %arg1, %mul3A_23 : i32
    %add3A_25 = arith.constant 320 : i32
    %add3A_26 = arith.addi %mul3A_24, %add3A_25 : i32
    "tpu.region"() ({
      %run_scoped3A = tpu.sem_alloc : memref<!tpu.dma_semaphore, #tpu.memory_space<semaphore_mem>>
      %dma_start3A = arith.constant 0 : i32
      %dma_start3A_50 = tpu.memref_slice %arg9[%add3A_26, %dma_start3A] : memref<10240x128xf32, #tpu.memory_space<vmem_shared>> -> memref<80x128xf32, #tpu.memory_space<vmem_shared>>
      %dma_start3A_51 = arith.constant 0 : i32
      %dma_start3A_52 = tpu.memref_slice %arg9[%add3A_26, %dma_start3A_51] : memref<10240x128xf32, #tpu.memory_space<vmem_shared>> -> memref<80x128xf32, #tpu.memory_space<vmem_shared>>
      tpu.enqueue_dma source(%arg8 : memref<80x128xf32, #tpu.memory_space<vmem>>) target(%dma_start3A_52 : memref<80x128xf32, #tpu.memory_space<vmem_shared>>) target_semaphore(%run_scoped3A : memref<!tpu.dma_semaphore, #tpu.memory_space<semaphore_mem>>)
      %dma_wait3A = arith.constant 0 : i32
      %dma_wait3A_53 = tpu.memref_slice %arg9[%add3A_26, %dma_wait3A] : memref<10240x128xf32, #tpu.memory_space<vmem_shared>> -> memref<80x128xf32, #tpu.memory_space<vmem_shared>>
      %dma_wait3A_54 = arith.constant 0 : i32
      %dma_wait3A_55 = tpu.memref_slice %arg9[%add3A_26, %dma_wait3A_54] : memref<10240x128xf32, #tpu.memory_space<vmem_shared>> -> memref<80x128xf32, #tpu.memory_space<vmem_shared>>
      tpu.wait_dma2 semaphore(%run_scoped3A : memref<!tpu.dma_semaphore, #tpu.memory_space<semaphore_mem>>) src(%arg8 : memref<80x128xf32, #tpu.memory_space<vmem>>) dst(%dma_wait3A_55 : memref<80x128xf32, #tpu.memory_space<vmem_shared>>)
      tpu.yield
    }) : () -> ()
    %mul3A_27 = arith.constant 640 : i32
    %mul3A_28 = arith.muli %arg1, %mul3A_27 : i32
    %add3A_29 = arith.constant 400 : i32
    %add3A_30 = arith.addi %mul3A_28, %add3A_29 : i32
    "tpu.region"() ({
      %run_scoped3A = tpu.sem_alloc : memref<!tpu.dma_semaphore, #tpu.memory_space<semaphore_mem>>
      %dma_start3A = arith.constant 0 : i32
      %dma_start3A_50 = tpu.memref_slice %arg9[%add3A_30, %dma_start3A] : memref<10240x128xf32, #tpu.memory_space<vmem_shared>> -> memref<80x128xf32, #tpu.memory_space<vmem_shared>>
      %dma_start3A_51 = arith.constant 0 : i32
      %dma_start3A_52 = tpu.memref_slice %arg9[%add3A_30, %dma_start3A_51] : memref<10240x128xf32, #tpu.memory_space<vmem_shared>> -> memref<80x128xf32, #tpu.memory_space<vmem_shared>>
      tpu.enqueue_dma source(%arg8 : memref<80x128xf32, #tpu.memory_space<vmem>>) target(%dma_start3A_52 : memref<80x128xf32, #tpu.memory_space<vmem_shared>>) target_semaphore(%run_scoped3A : memref<!tpu.dma_semaphore, #tpu.memory_space<semaphore_mem>>)
      %dma_wait3A = arith.constant 0 : i32
      %dma_wait3A_53 = tpu.memref_slice %arg9[%add3A_30, %dma_wait3A] : memref<10240x128xf32, #tpu.memory_space<vmem_shared>> -> memref<80x128xf32, #tpu.memory_space<vmem_shared>>
      %dma_wait3A_54 = arith.constant 0 : i32
      %dma_wait3A_55 = tpu.memref_slice %arg9[%add3A_30, %dma_wait3A_54] : memref<10240x128xf32, #tpu.memory_space<vmem_shared>> -> memref<80x128xf32, #tpu.memory_space<vmem_shared>>
      tpu.wait_dma2 semaphore(%run_scoped3A : memref<!tpu.dma_semaphore, #tpu.memory_space<semaphore_mem>>) src(%arg8 : memref<80x128xf32, #tpu.memory_space<vmem>>) dst(%dma_wait3A_55 : memref<80x128xf32, #tpu.memory_space<vmem_shared>>)
      tpu.yield
    }) : () -> ()
    %mul3A_31 = arith.constant 640 : i32
    %mul3A_32 = arith.muli %arg1, %mul3A_31 : i32
    %add3A_33 = arith.constant 480 : i32
    %add3A_34 = arith.addi %mul3A_32, %add3A_33 : i32
    "tpu.region"() ({
      %run_scoped3A = tpu.sem_alloc : memref<!tpu.dma_semaphore, #tpu.memory_space<semaphore_mem>>
      %dma_start3A = arith.constant 0 : i32
      %dma_start3A_50 = tpu.memref_slice %arg9[%add3A_34, %dma_start3A] : memref<10240x128xf32, #tpu.memory_space<vmem_shared>> -> memref<80x128xf32, #tpu.memory_space<vmem_shared>>
      %dma_start3A_51 = arith.constant 0 : i32
      %dma_start3A_52 = tpu.memref_slice %arg9[%add3A_34, %dma_start3A_51] : memref<10240x128xf32, #tpu.memory_space<vmem_shared>> -> memref<80x128xf32, #tpu.memory_space<vmem_shared>>
      tpu.enqueue_dma source(%arg8 : memref<80x128xf32, #tpu.memory_space<vmem>>) target(%dma_start3A_52 : memref<80x128xf32, #tpu.memory_space<vmem_shared>>) target_semaphore(%run_scoped3A : memref<!tpu.dma_semaphore, #tpu.memory_space<semaphore_mem>>)
      %dma_wait3A = arith.constant 0 : i32
      %dma_wait3A_53 = tpu.memref_slice %arg9[%add3A_34, %dma_wait3A] : memref<10240x128xf32, #tpu.memory_space<vmem_shared>> -> memref<80x128xf32, #tpu.memory_space<vmem_shared>>
      %dma_wait3A_54 = arith.constant 0 : i32
      %dma_wait3A_55 = tpu.memref_slice %arg9[%add3A_34, %dma_wait3A_54] : memref<10240x128xf32, #tpu.memory_space<vmem_shared>> -> memref<80x128xf32, #tpu.memory_space<vmem_shared>>
      tpu.wait_dma2 semaphore(%run_scoped3A : memref<!tpu.dma_semaphore, #tpu.memory_space<semaphore_mem>>) src(%arg8 : memref<80x128xf32, #tpu.memory_space<vmem>>) dst(%dma_wait3A_55 : memref<80x128xf32, #tpu.memory_space<vmem_shared>>)
      tpu.yield
    }) : () -> ()
    %mul3A_35 = arith.constant 640 : i32
    %mul3A_36 = arith.muli %arg1, %mul3A_35 : i32
    %add3A_37 = arith.constant 560 : i32
    %add3A_38 = arith.addi %mul3A_36, %add3A_37 : i32
    "tpu.region"() ({
      %run_scoped3A = tpu.sem_alloc : memref<!tpu.dma_semaphore, #tpu.memory_space<semaphore_mem>>
      %dma_start3A = arith.constant 0 : i32
      %dma_start3A_50 = tpu.memref_slice %arg9[%add3A_38, %dma_start3A] : memref<10240x128xf32, #tpu.memory_space<vmem_shared>> -> memref<80x128xf32, #tpu.memory_space<vmem_shared>>
      %dma_start3A_51 = arith.constant 0 : i32
      %dma_start3A_52 = tpu.memref_slice %arg9[%add3A_38, %dma_start3A_51] : memref<10240x128xf32, #tpu.memory_space<vmem_shared>> -> memref<80x128xf32, #tpu.memory_space<vmem_shared>>
      tpu.enqueue_dma source(%arg8 : memref<80x128xf32, #tpu.memory_space<vmem>>) target(%dma_start3A_52 : memref<80x128xf32, #tpu.memory_space<vmem_shared>>) target_semaphore(%run_scoped3A : memref<!tpu.dma_semaphore, #tpu.memory_space<semaphore_mem>>)
      %dma_wait3A = arith.constant 0 : i32
      %dma_wait3A_53 = tpu.memref_slice %arg9[%add3A_38, %dma_wait3A] : memref<10240x128xf32, #tpu.memory_space<vmem_shared>> -> memref<80x128xf32, #tpu.memory_space<vmem_shared>>
      %dma_wait3A_54 = arith.constant 0 : i32
      %dma_wait3A_55 = tpu.memref_slice %arg9[%add3A_38, %dma_wait3A_54] : memref<10240x128xf32, #tpu.memory_space<vmem_shared>> -> memref<80x128xf32, #tpu.memory_space<vmem_shared>>
      tpu.wait_dma2 semaphore(%run_scoped3A : memref<!tpu.dma_semaphore, #tpu.memory_space<semaphore_mem>>) src(%arg8 : memref<80x128xf32, #tpu.memory_space<vmem>>) dst(%dma_wait3A_55 : memref<80x128xf32, #tpu.memory_space<vmem_shared>>)
      tpu.yield
    }) : () -> ()
    %barrier3A = arith.constant 0 : index
    tpu.barrier barrier_id(%barrier3A)
    %scan3A_39 = arith.constant 0 : i32
    %scan3A_40 = arith.constant 0 : i32
    %scan3A_41 = arith.constant 5 : i32
    %scan3A_42 = arith.addi %scan3A_40, %scan3A_41 : i32
    %scan3A_43 = arith.constant 1 : i32
    scf.for %scan3A_50 = %scan3A_40 to %scan3A_42 step %scan3A_43  : i32 {
      "tpu.region"() ({
        %run_scoped3A = tpu.sem_alloc : memref<!tpu.dma_semaphore, #tpu.memory_space<semaphore_mem>>
        %dma_start3A = arith.constant 0 : i32
        %dma_start3A_56 = arith.constant 0 : i32
        %dma_start3A_57 = tpu.memref_slice %arg3[%add3A, %scan3A_50, %dma_start3A, %dma_start3A_56] : memref<32x5x25x80xi32, #tpu.memory_space<hbm>> -> memref<1x1x25x80xi32, #tpu.memory_space<hbm>>
        %dma_start3A_58 = tpu.memref_squeeze %dma_start3A_57 : memref<1x1x25x80xi32, #tpu.memory_space<hbm>> -> memref<25x80xi32, #tpu.memory_space<hbm>>
        %dma_start3A_59 = arith.constant 0 : i32
        %dma_start3A_60 = arith.constant 0 : i32
        %dma_start3A_61 = tpu.memref_slice %arg3[%add3A, %scan3A_50, %dma_start3A_59, %dma_start3A_60] : memref<32x5x25x80xi32, #tpu.memory_space<hbm>> -> memref<1x1x25x80xi32, #tpu.memory_space<hbm>>
        %dma_start3A_62 = tpu.memref_squeeze %dma_start3A_61 : memref<1x1x25x80xi32, #tpu.memory_space<hbm>> -> memref<25x80xi32, #tpu.memory_space<hbm>>
        tpu.enqueue_dma source(%dma_start3A_62 : memref<25x80xi32, #tpu.memory_space<hbm>>) target(%arg6 : memref<25x80xi32, #tpu.memory_space<vmem>>) target_semaphore(%run_scoped3A : memref<!tpu.dma_semaphore, #tpu.memory_space<semaphore_mem>>)
        %dma_wait3A = arith.constant 0 : i32
        %dma_wait3A_63 = arith.constant 0 : i32
        %dma_wait3A_64 = tpu.memref_slice %arg3[%add3A, %scan3A_50, %dma_wait3A, %dma_wait3A_63] : memref<32x5x25x80xi32, #tpu.memory_space<hbm>> -> memref<1x1x25x80xi32, #tpu.memory_space<hbm>>
        %dma_wait3A_65 = tpu.memref_squeeze %dma_wait3A_64 : memref<1x1x25x80xi32, #tpu.memory_space<hbm>> -> memref<25x80xi32, #tpu.memory_space<hbm>>
        %dma_wait3A_66 = arith.constant 0 : i32
        %dma_wait3A_67 = arith.constant 0 : i32
        %dma_wait3A_68 = tpu.memref_slice %arg3[%add3A, %scan3A_50, %dma_wait3A_66, %dma_wait3A_67] : memref<32x5x25x80xi32, #tpu.memory_space<hbm>> -> memref<1x1x25x80xi32, #tpu.memory_space<hbm>>
        %dma_wait3A_69 = tpu.memref_squeeze %dma_wait3A_68 : memref<1x1x25x80xi32, #tpu.memory_space<hbm>> -> memref<25x80xi32, #tpu.memory_space<hbm>>
        tpu.wait_dma2 semaphore(%run_scoped3A : memref<!tpu.dma_semaphore, #tpu.memory_space<semaphore_mem>>) src(%dma_wait3A_69 : memref<25x80xi32, #tpu.memory_space<hbm>>) dst(%arg6 : memref<25x80xi32, #tpu.memory_space<vmem>>)
        tpu.yield
      }) : () -> ()
      "tpu.region"() ({
        %run_scoped3A = tpu.sem_alloc : memref<!tpu.dma_semaphore, #tpu.memory_space<semaphore_mem>>
        %dma_start3A = arith.constant 0 : i32
        %dma_start3A_56 = arith.constant 0 : i32
        %dma_start3A_57 = tpu.memref_slice %arg4[%add3A, %scan3A_50, %dma_start3A, %dma_start3A_56] : memref<32x5x25x80xi32, #tpu.memory_space<hbm>> -> memref<1x1x25x80xi32, #tpu.memory_space<hbm>>
        %dma_start3A_58 = tpu.memref_squeeze %dma_start3A_57 : memref<1x1x25x80xi32, #tpu.memory_space<hbm>> -> memref<25x80xi32, #tpu.memory_space<hbm>>
        %dma_start3A_59 = arith.constant 0 : i32
        %dma_start3A_60 = arith.constant 0 : i32
        %dma_start3A_61 = tpu.memref_slice %arg4[%add3A, %scan3A_50, %dma_start3A_59, %dma_start3A_60] : memref<32x5x25x80xi32, #tpu.memory_space<hbm>> -> memref<1x1x25x80xi32, #tpu.memory_space<hbm>>
        %dma_start3A_62 = tpu.memref_squeeze %dma_start3A_61 : memref<1x1x25x80xi32, #tpu.memory_space<hbm>> -> memref<25x80xi32, #tpu.memory_space<hbm>>
        tpu.enqueue_dma source(%dma_start3A_62 : memref<25x80xi32, #tpu.memory_space<hbm>>) target(%arg7 : memref<25x80xi32, #tpu.memory_space<vmem>>) target_semaphore(%run_scoped3A : memref<!tpu.dma_semaphore, #tpu.memory_space<semaphore_mem>>)
        %dma_wait3A = arith.constant 0 : i32
        %dma_wait3A_63 = arith.constant 0 : i32
        %dma_wait3A_64 = tpu.memref_slice %arg4[%add3A, %scan3A_50, %dma_wait3A, %dma_wait3A_63] : memref<32x5x25x80xi32, #tpu.memory_space<hbm>> -> memref<1x1x25x80xi32, #tpu.memory_space<hbm>>
        %dma_wait3A_65 = tpu.memref_squeeze %dma_wait3A_64 : memref<1x1x25x80xi32, #tpu.memory_space<hbm>> -> memref<25x80xi32, #tpu.memory_space<hbm>>
        %dma_wait3A_66 = arith.constant 0 : i32
        %dma_wait3A_67 = arith.constant 0 : i32
        %dma_wait3A_68 = tpu.memref_slice %arg4[%add3A, %scan3A_50, %dma_wait3A_66, %dma_wait3A_67] : memref<32x5x25x80xi32, #tpu.memory_space<hbm>> -> memref<1x1x25x80xi32, #tpu.memory_space<hbm>>
        %dma_wait3A_69 = tpu.memref_squeeze %dma_wait3A_68 : memref<1x1x25x80xi32, #tpu.memory_space<hbm>> -> memref<25x80xi32, #tpu.memory_space<hbm>>
        tpu.wait_dma2 semaphore(%run_scoped3A : memref<!tpu.dma_semaphore, #tpu.memory_space<semaphore_mem>>) src(%dma_wait3A_69 : memref<25x80xi32, #tpu.memory_space<hbm>>) dst(%arg7 : memref<25x80xi32, #tpu.memory_space<vmem>>)
        tpu.yield
      }) : () -> ()
      %scan3A_51 = arith.constant 0 : i32
      %scan3A_52 = arith.constant 25 : i32
      %scan3A_53 = arith.addi %scan3A_51, %scan3A_52 : i32
      %scan3A_54 = arith.constant 1 : i32
      scf.for %scan3A_56 = %scan3A_51 to %scan3A_53 step %scan3A_54  : i32 {
        %dma_start3A = arith.constant 0 : i32
        %dma_start3A_57 = tpu.memref_slice %arg6[%scan3A_56, %dma_start3A] : memref<25x80xi32, #tpu.memory_space<vmem>> -> memref<1x80xi32, #tpu.memory_space<vmem>>
        %dma_start3A_58 = tpu.memref_squeeze %dma_start3A_57 : memref<1x80xi32, #tpu.memory_space<vmem>> -> memref<80xi32, #tpu.memory_space<vmem>>
        %dma_start3A_59 = arith.constant 0 : i32
        %dma_start3A_60 = arith.constant 0 : i32
        %dma_start3A_61 = tpu.memref_slice %arg2[%dma_start3A_59, %dma_start3A_60] : memref<10000x128xf32, #tpu.memory_space<hbm>> -> memref<10000x128xf32, #tpu.memory_space<hbm>>
        tpu.enqueue_indirect_dma source(%dma_start3A_61 : memref<10000x128xf32, #tpu.memory_space<hbm>>) target(%arg8 : memref<80x128xf32, #tpu.memory_space<vmem>>) offsets(%dma_start3A_58 : memref<80xi32, #tpu.memory_space<vmem>>) semaphore(%arg10 : memref<!tpu.dma_semaphore, #tpu.memory_space<semaphore_mem>>)
        %dma_wait3A = arith.constant 0 : i32
        %dma_wait3A_62 = tpu.memref_slice %arg6[%scan3A_56, %dma_wait3A] : memref<25x80xi32, #tpu.memory_space<vmem>> -> memref<1x80xi32, #tpu.memory_space<vmem>>
        %dma_wait3A_63 = tpu.memref_squeeze %dma_wait3A_62 : memref<1x80xi32, #tpu.memory_space<vmem>> -> memref<80xi32, #tpu.memory_space<vmem>>
        %dma_wait3A_64 = arith.constant 0 : i32
        %dma_wait3A_65 = arith.constant 0 : i32
        %dma_wait3A_66 = tpu.memref_slice %arg2[%dma_wait3A_64, %dma_wait3A_65] : memref<10000x128xf32, #tpu.memory_space<hbm>> -> memref<10000x128xf32, #tpu.memory_space<hbm>>
        tpu.wait_indirect_dma semaphore(%arg10 : memref<!tpu.dma_semaphore, #tpu.memory_space<semaphore_mem>>) src(%dma_wait3A_66 : memref<10000x128xf32, #tpu.memory_space<hbm>>) dst(%arg8 : memref<80x128xf32, #tpu.memory_space<vmem>>)
        "tpu.region"() ({
          %run_scoped3A = tpu.sem_alloc : memref<!tpu.dma_semaphore, #tpu.memory_space<semaphore_mem>>
          %dma_start3A_67 = arith.constant 0 : i32
          %dma_start3A_68 = tpu.memref_slice %arg7[%scan3A_56, %dma_start3A_67] : memref<25x80xi32, #tpu.memory_space<vmem>> -> memref<1x80xi32, #tpu.memory_space<vmem>>
          %dma_start3A_69 = tpu.memref_squeeze %dma_start3A_68 : memref<1x80xi32, #tpu.memory_space<vmem>> -> memref<80xi32, #tpu.memory_space<vmem>>
          %dma_start3A_70 = arith.constant 0 : i32
          %dma_start3A_71 = arith.constant 0 : i32
          %dma_start3A_72 = tpu.memref_slice %arg9[%dma_start3A_70, %dma_start3A_71] : memref<10240x128xf32, #tpu.memory_space<vmem_shared>> -> memref<10240x128xf32, #tpu.memory_space<vmem_shared>>
          tpu.enqueue_indirect_dma source(%arg8 : memref<80x128xf32, #tpu.memory_space<vmem>>) target(%dma_start3A_72 : memref<10240x128xf32, #tpu.memory_space<vmem_shared>>) offsets(%dma_start3A_69 : memref<80xi32, #tpu.memory_space<vmem>>) semaphore(%run_scoped3A : memref<!tpu.dma_semaphore, #tpu.memory_space<semaphore_mem>>) {add = true}
          %dma_wait3A_73 = arith.constant 0 : i32
          %dma_wait3A_74 = tpu.memref_slice %arg7[%scan3A_56, %dma_wait3A_73] : memref<25x80xi32, #tpu.memory_space<vmem>> -> memref<1x80xi32, #tpu.memory_space<vmem>>
          %dma_wait3A_75 = tpu.memref_squeeze %dma_wait3A_74 : memref<1x80xi32, #tpu.memory_space<vmem>> -> memref<80xi32, #tpu.memory_space<vmem>>
          %dma_wait3A_76 = arith.constant 0 : i32
          %dma_wait3A_77 = arith.constant 0 : i32
          %dma_wait3A_78 = tpu.memref_slice %arg9[%dma_wait3A_76, %dma_wait3A_77] : memref<10240x128xf32, #tpu.memory_space<vmem_shared>> -> memref<10240x128xf32, #tpu.memory_space<vmem_shared>>
          tpu.wait_indirect_dma semaphore(%run_scoped3A : memref<!tpu.dma_semaphore, #tpu.memory_space<semaphore_mem>>) src(%arg8 : memref<80x128xf32, #tpu.memory_space<vmem>>) dst(%dma_wait3A_78 : memref<10240x128xf32, #tpu.memory_space<vmem_shared>>)
          tpu.yield
        }) : () -> ()
      }
      %scan3A_55 = arith.constant 25 : i32
    }
    %scan3A_44 = arith.constant 5 : i32
    %barrier3A_45 = arith.constant 0 : index
    tpu.barrier barrier_id(%barrier3A_45)
    %mul3A_46 = arith.constant 640 : i32
    %mul3A_47 = arith.muli %arg1, %mul3A_46 : i32
    %mul3A_48 = arith.constant 640 : i32
    %mul3A_49 = arith.muli %arg1, %mul3A_48 : i32
    "tpu.region"() ({
      %run_scoped3A = tpu.sem_alloc : memref<!tpu.dma_semaphore, #tpu.memory_space<semaphore_mem>>
      %dma_start3A = arith.constant 0 : i32
      %dma_start3A_50 = tpu.memref_slice %arg5[%arg0, %mul3A_49, %dma_start3A] : memref<2x10240x128xf32, #tpu.memory_space<hbm>> -> memref<1x640x128xf32, #tpu.memory_space<hbm>>
      %dma_start3A_51 = tpu.memref_squeeze %dma_start3A_50 : memref<1x640x128xf32, #tpu.memory_space<hbm>> -> memref<640x128xf32, #tpu.memory_space<hbm>>
      %dma_start3A_52 = arith.constant 0 : i32
      %dma_start3A_53 = tpu.memref_slice %arg9[%mul3A_47, %dma_start3A_52] : memref<10240x128xf32, #tpu.memory_space<vmem_shared>> -> memref<640x128xf32, #tpu.memory_space<vmem_shared>>
      tpu.enqueue_dma source(%dma_start3A_53 : memref<640x128xf32, #tpu.memory_space<vmem_shared>>) target(%dma_start3A_51 : memref<640x128xf32, #tpu.memory_space<hbm>>) target_semaphore(%run_scoped3A : memref<!tpu.dma_semaphore, #tpu.memory_space<semaphore_mem>>)
      %dma_wait3A = arith.constant 0 : i32
      %dma_wait3A_54 = tpu.memref_slice %arg5[%arg0, %mul3A_49, %dma_wait3A] : memref<2x10240x128xf32, #tpu.memory_space<hbm>> -> memref<1x640x128xf32, #tpu.memory_space<hbm>>
      %dma_wait3A_55 = tpu.memref_squeeze %dma_wait3A_54 : memref<1x640x128xf32, #tpu.memory_space<hbm>> -> memref<640x128xf32, #tpu.memory_space<hbm>>
      %dma_wait3A_56 = arith.constant 0 : i32
      %dma_wait3A_57 = tpu.memref_slice %arg9[%mul3A_47, %dma_wait3A_56] : memref<10240x128xf32, #tpu.memory_space<vmem_shared>> -> memref<640x128xf32, #tpu.memory_space<vmem_shared>>
      tpu.wait_dma2 semaphore(%run_scoped3A : memref<!tpu.dma_semaphore, #tpu.memory_space<semaphore_mem>>) src(%dma_wait3A_57 : memref<640x128xf32, #tpu.memory_space<vmem_shared>>) dst(%dma_wait3A_55 : memref<640x128xf32, #tpu.memory_space<hbm>>)
      tpu.yield
    }) : () -> ()
    return
  }
}

#map = affine_map<(d0, d1) -> (0, 0)>
#map1 = affine_map<(d0, d1) -> (0, 0, 0, 0)>
#map2 = affine_map<(d0, d1) -> (0, 0, 0)>
module attributes {stable_mosaic.version = 14 : i64} {
  func.func @_msg_body(%arg0: i32, %arg1: i32, %arg2: memref<10000x128xf32, #tpu.memory_space<hbm>>, %arg3: memref<32x5x25x80xi32, #tpu.memory_space<hbm>>, %arg4: memref<32x5x25x80xi32, #tpu.memory_space<hbm>>, %arg5: memref<2x10240x128xf32, #tpu.memory_space<hbm>>, %arg6: memref<25x80xi32, #tpu.memory_space<vmem>>, %arg7: memref<25x80xi32, #tpu.memory_space<vmem>>, %arg8: memref<80x128xf32, #tpu.memory_space<vmem>>, %arg9: memref<10240x128xf32, #tpu.memory_space<vmem_shared>>, %arg10: memref<!tpu.dma_semaphore, #tpu.memory_space<semaphore_mem>>) attributes {dimension_semantics = [#tpu.dimension_semantics<core_parallel>, #tpu.dimension_semantics<subcore_parallel>], iteration_bounds = array<i64: 2, 16>, scalar_prefetch = 0 : i64, scratch_operands = 5 : i64, tpu.core_type = #tpu.core_type<sc_vector_subcore>, window_params = [{transform_indices = #map}, {transform_indices = #map1}, {transform_indices = #map1}, {transform_indices = #map2}]} {
    %mul3A = arith.constant 2 : i32
    %mul3A_0 = arith.muli %arg1, %mul3A : i32
    %add3A = arith.addi %mul3A_0, %arg0 : i32
    %broadcast_in_dim3A = arith.constant 0.000000e+00 : f32
    %broadcast_in_dim3A_1 = vector.broadcast %broadcast_in_dim3A : f32 to vector<16xf32>
    %scan3A = arith.constant 0 : i32
    %scan3A_2 = arith.constant 0 : i32
    %scan3A_3 = arith.constant 80 : i32
    %scan3A_4 = arith.addi %scan3A_2, %scan3A_3 : i32
    %scan3A_5 = arith.constant 1 : i32
    scf.for %scan3A_50 = %scan3A_2 to %scan3A_4 step %scan3A_5  : i32 {
      %swap3A = arith.index_cast %scan3A_50 : i32 to index
      %swap3A_51 = arith.constant 0 : index
      %swap3A_52 = tpu.vector_load %arg8[%swap3A, %swap3A_51] {strides = array<i32>} : memref<80x128xf32, #tpu.memory_space<vmem>>, vector<1x16xf32>,
      %swap3A_53 = vector.shape_cast %swap3A_52 : vector<1x16xf32> to vector<16xf32>
      %swap3A_54 = vector.shape_cast %broadcast_in_dim3A_1 : vector<16xf32> to vector<1x16xf32>
      tpu.vector_store %arg8[%swap3A, %swap3A_51], %swap3A_54 {strides = array<i32>} : memref<80x128xf32, #tpu.memory_space<vmem>>, vector<1x16xf32>,
      %swap3A_55 = arith.index_cast %scan3A_50 : i32 to index
      %swap3A_56 = arith.constant 16 : index
      %swap3A_57 = tpu.vector_load %arg8[%swap3A_55, %swap3A_56] {strides = array<i32>} : memref<80x128xf32, #tpu.memory_space<vmem>>, vector<1x16xf32>,
      %swap3A_58 = vector.shape_cast %swap3A_57 : vector<1x16xf32> to vector<16xf32>
      %swap3A_59 = vector.shape_cast %broadcast_in_dim3A_1 : vector<16xf32> to vector<1x16xf32>
      tpu.vector_store %arg8[%swap3A_55, %swap3A_56], %swap3A_59 {strides = array<i32>} : memref<80x128xf32, #tpu.memory_space<vmem>>, vector<1x16xf32>,
      %swap3A_60 = arith.index_cast %scan3A_50 : i32 to index
      %swap3A_61 = arith.constant 32 : index
      %swap3A_62 = tpu.vector_load %arg8[%swap3A_60, %swap3A_61] {strides = array<i32>} : memref<80x128xf32, #tpu.memory_space<vmem>>, vector<1x16xf32>,
      %swap3A_63 = vector.shape_cast %swap3A_62 : vector<1x16xf32> to vector<16xf32>
      %swap3A_64 = vector.shape_cast %broadcast_in_dim3A_1 : vector<16xf32> to vector<1x16xf32>
      tpu.vector_store %arg8[%swap3A_60, %swap3A_61], %swap3A_64 {strides = array<i32>} : memref<80x128xf32, #tpu.memory_space<vmem>>, vector<1x16xf32>,
      %swap3A_65 = arith.index_cast %scan3A_50 : i32 to index
      %swap3A_66 = arith.constant 48 : index
      %swap3A_67 = tpu.vector_load %arg8[%swap3A_65, %swap3A_66] {strides = array<i32>} : memref<80x128xf32, #tpu.memory_space<vmem>>, vector<1x16xf32>,
      %swap3A_68 = vector.shape_cast %swap3A_67 : vector<1x16xf32> to vector<16xf32>
      %swap3A_69 = vector.shape_cast %broadcast_in_dim3A_1 : vector<16xf32> to vector<1x16xf32>
      tpu.vector_store %arg8[%swap3A_65, %swap3A_66], %swap3A_69 {strides = array<i32>} : memref<80x128xf32, #tpu.memory_space<vmem>>, vector<1x16xf32>,
      %swap3A_70 = arith.index_cast %scan3A_50 : i32 to index
      %swap3A_71 = arith.constant 64 : index
      %swap3A_72 = tpu.vector_load %arg8[%swap3A_70, %swap3A_71] {strides = array<i32>} : memref<80x128xf32, #tpu.memory_space<vmem>>, vector<1x16xf32>,
      %swap3A_73 = vector.shape_cast %swap3A_72 : vector<1x16xf32> to vector<16xf32>
      %swap3A_74 = vector.shape_cast %broadcast_in_dim3A_1 : vector<16xf32> to vector<1x16xf32>
      tpu.vector_store %arg8[%swap3A_70, %swap3A_71], %swap3A_74 {strides = array<i32>} : memref<80x128xf32, #tpu.memory_space<vmem>>, vector<1x16xf32>,
      %swap3A_75 = arith.index_cast %scan3A_50 : i32 to index
      %swap3A_76 = arith.constant 80 : index
      %swap3A_77 = tpu.vector_load %arg8[%swap3A_75, %swap3A_76] {strides = array<i32>} : memref<80x128xf32, #tpu.memory_space<vmem>>, vector<1x16xf32>,
      %swap3A_78 = vector.shape_cast %swap3A_77 : vector<1x16xf32> to vector<16xf32>
      %swap3A_79 = vector.shape_cast %broadcast_in_dim3A_1 : vector<16xf32> to vector<1x16xf32>
      tpu.vector_store %arg8[%swap3A_75, %swap3A_76], %swap3A_79 {strides = array<i32>} : memref<80x128xf32, #tpu.memory_space<vmem>>, vector<1x16xf32>,
      %swap3A_80 = arith.index_cast %scan3A_50 : i32 to index
      %swap3A_81 = arith.constant 96 : index
      %swap3A_82 = tpu.vector_load %arg8[%swap3A_80, %swap3A_81] {strides = array<i32>} : memref<80x128xf32, #tpu.memory_space<vmem>>, vector<1x16xf32>,
      %swap3A_83 = vector.shape_cast %swap3A_82 : vector<1x16xf32> to vector<16xf32>
      %swap3A_84 = vector.shape_cast %broadcast_in_dim3A_1 : vector<16xf32> to vector<1x16xf32>
      tpu.vector_store %arg8[%swap3A_80, %swap3A_81], %swap3A_84 {strides = array<i32>} : memref<80x128xf32, #tpu.memory_space<vmem>>, vector<1x16xf32>,
      %swap3A_85 = arith.index_cast %scan3A_50 : i32 to index
      %swap3A_86 = arith.constant 112 : index
      %swap3A_87 = tpu.vector_load %arg8[%swap3A_85, %swap3A_86] {strides = array<i32>} : memref<80x128xf32, #tpu.memory_space<vmem>>, vector<1x16xf32>,
      %swap3A_88 = vector.shape_cast %swap3A_87 : vector<1x16xf32> to vector<16xf32>
      %swap3A_89 = vector.shape_cast %broadcast_in_dim3A_1 : vector<16xf32> to vector<1x16xf32>
      tpu.vector_store %arg8[%swap3A_85, %swap3A_86], %swap3A_89 {strides = array<i32>} : memref<80x128xf32, #tpu.memory_space<vmem>>, vector<1x16xf32>,
    }
    %scan3A_6 = arith.constant 80 : i32
    %mul3A_7 = arith.constant 640 : i32
    %mul3A_8 = arith.muli %arg1, %mul3A_7 : i32
    %add3A_9 = arith.constant 0 : i32
    %add3A_10 = arith.addi %mul3A_8, %add3A_9 : i32
    "tpu.region"() ({
      %run_scoped3A = tpu.sem_alloc : memref<!tpu.dma_semaphore, #tpu.memory_space<semaphore_mem>>
      %dma_start3A = arith.constant 0 : i32
      %dma_start3A_50 = tpu.memref_slice %arg9[%add3A_10, %dma_start3A] : memref<10240x128xf32, #tpu.memory_space<vmem_shared>> -> memref<80x128xf32, #tpu.memory_space<vmem_shared>>
      %dma_start3A_51 = arith.constant 0 : i32
      %dma_start3A_52 = tpu.memref_slice %arg9[%add3A_10, %dma_start3A_51] : memref<10240x128xf32, #tpu.memory_space<vmem_shared>> -> memref<80x128xf32, #tpu.memory_space<vmem_shared>>
      tpu.enqueue_dma source(%arg8 : memref<80x128xf32, #tpu.memory_space<vmem>>) target(%dma_start3A_52 : memref<80x128xf32, #tpu.memory_space<vmem_shared>>) target_semaphore(%run_scoped3A : memref<!tpu.dma_semaphore, #tpu.memory_space<semaphore_mem>>)
      %dma_wait3A = arith.constant 0 : i32
      %dma_wait3A_53 = tpu.memref_slice %arg9[%add3A_10, %dma_wait3A] : memref<10240x128xf32, #tpu.memory_space<vmem_shared>> -> memref<80x128xf32, #tpu.memory_space<vmem_shared>>
      %dma_wait3A_54 = arith.constant 0 : i32
      %dma_wait3A_55 = tpu.memref_slice %arg9[%add3A_10, %dma_wait3A_54] : memref<10240x128xf32, #tpu.memory_space<vmem_shared>> -> memref<80x128xf32, #tpu.memory_space<vmem_shared>>
      tpu.wait_dma2 semaphore(%run_scoped3A : memref<!tpu.dma_semaphore, #tpu.memory_space<semaphore_mem>>) src(%arg8 : memref<80x128xf32, #tpu.memory_space<vmem>>) dst(%dma_wait3A_55 : memref<80x128xf32, #tpu.memory_space<vmem_shared>>)
      tpu.yield
    }) : () -> ()
    %mul3A_11 = arith.constant 640 : i32
    %mul3A_12 = arith.muli %arg1, %mul3A_11 : i32
    %add3A_13 = arith.constant 80 : i32
    %add3A_14 = arith.addi %mul3A_12, %add3A_13 : i32
    "tpu.region"() ({
      %run_scoped3A = tpu.sem_alloc : memref<!tpu.dma_semaphore, #tpu.memory_space<semaphore_mem>>
      %dma_start3A = arith.constant 0 : i32
      %dma_start3A_50 = tpu.memref_slice %arg9[%add3A_14, %dma_start3A] : memref<10240x128xf32, #tpu.memory_space<vmem_shared>> -> memref<80x128xf32, #tpu.memory_space<vmem_shared>>
      %dma_start3A_51 = arith.constant 0 : i32
      %dma_start3A_52 = tpu.memref_slice %arg9[%add3A_14, %dma_start3A_51] : memref<10240x128xf32, #tpu.memory_space<vmem_shared>> -> memref<80x128xf32, #tpu.memory_space<vmem_shared>>
      tpu.enqueue_dma source(%arg8 : memref<80x128xf32, #tpu.memory_space<vmem>>) target(%dma_start3A_52 : memref<80x128xf32, #tpu.memory_space<vmem_shared>>) target_semaphore(%run_scoped3A : memref<!tpu.dma_semaphore, #tpu.memory_space<semaphore_mem>>)
      %dma_wait3A = arith.constant 0 : i32
      %dma_wait3A_53 = tpu.memref_slice %arg9[%add3A_14, %dma_wait3A] : memref<10240x128xf32, #tpu.memory_space<vmem_shared>> -> memref<80x128xf32, #tpu.memory_space<vmem_shared>>
      %dma_wait3A_54 = arith.constant 0 : i32
      %dma_wait3A_55 = tpu.memref_slice %arg9[%add3A_14, %dma_wait3A_54] : memref<10240x128xf32, #tpu.memory_space<vmem_shared>> -> memref<80x128xf32, #tpu.memory_space<vmem_shared>>
      tpu.wait_dma2 semaphore(%run_scoped3A : memref<!tpu.dma_semaphore, #tpu.memory_space<semaphore_mem>>) src(%arg8 : memref<80x128xf32, #tpu.memory_space<vmem>>) dst(%dma_wait3A_55 : memref<80x128xf32, #tpu.memory_space<vmem_shared>>)
      tpu.yield
    }) : () -> ()
    %mul3A_15 = arith.constant 640 : i32
    %mul3A_16 = arith.muli %arg1, %mul3A_15 : i32
    %add3A_17 = arith.constant 160 : i32
    %add3A_18 = arith.addi %mul3A_16, %add3A_17 : i32
    "tpu.region"() ({
      %run_scoped3A = tpu.sem_alloc : memref<!tpu.dma_semaphore, #tpu.memory_space<semaphore_mem>>
      %dma_start3A = arith.constant 0 : i32
      %dma_start3A_50 = tpu.memref_slice %arg9[%add3A_18, %dma_start3A] : memref<10240x128xf32, #tpu.memory_space<vmem_shared>> -> memref<80x128xf32, #tpu.memory_space<vmem_shared>>
      %dma_start3A_51 = arith.constant 0 : i32
      %dma_start3A_52 = tpu.memref_slice %arg9[%add3A_18, %dma_start3A_51] : memref<10240x128xf32, #tpu.memory_space<vmem_shared>> -> memref<80x128xf32, #tpu.memory_space<vmem_shared>>
      tpu.enqueue_dma source(%arg8 : memref<80x128xf32, #tpu.memory_space<vmem>>) target(%dma_start3A_52 : memref<80x128xf32, #tpu.memory_space<vmem_shared>>) target_semaphore(%run_scoped3A : memref<!tpu.dma_semaphore, #tpu.memory_space<semaphore_mem>>)
      %dma_wait3A = arith.constant 0 : i32
      %dma_wait3A_53 = tpu.memref_slice %arg9[%add3A_18, %dma_wait3A] : memref<10240x128xf32, #tpu.memory_space<vmem_shared>> -> memref<80x128xf32, #tpu.memory_space<vmem_shared>>
      %dma_wait3A_54 = arith.constant 0 : i32
      %dma_wait3A_55 = tpu.memref_slice %arg9[%add3A_18, %dma_wait3A_54] : memref<10240x128xf32, #tpu.memory_space<vmem_shared>> -> memref<80x128xf32, #tpu.memory_space<vmem_shared>>
      tpu.wait_dma2 semaphore(%run_scoped3A : memref<!tpu.dma_semaphore, #tpu.memory_space<semaphore_mem>>) src(%arg8 : memref<80x128xf32, #tpu.memory_space<vmem>>) dst(%dma_wait3A_55 : memref<80x128xf32, #tpu.memory_space<vmem_shared>>)
      tpu.yield
    }) : () -> ()
    %mul3A_19 = arith.constant 640 : i32
    %mul3A_20 = arith.muli %arg1, %mul3A_19 : i32
    %add3A_21 = arith.constant 240 : i32
    %add3A_22 = arith.addi %mul3A_20, %add3A_21 : i32
    "tpu.region"() ({
      %run_scoped3A = tpu.sem_alloc : memref<!tpu.dma_semaphore, #tpu.memory_space<semaphore_mem>>
      %dma_start3A = arith.constant 0 : i32
      %dma_start3A_50 = tpu.memref_slice %arg9[%add3A_22, %dma_start3A] : memref<10240x128xf32, #tpu.memory_space<vmem_shared>> -> memref<80x128xf32, #tpu.memory_space<vmem_shared>>
      %dma_start3A_51 = arith.constant 0 : i32
      %dma_start3A_52 = tpu.memref_slice %arg9[%add3A_22, %dma_start3A_51] : memref<10240x128xf32, #tpu.memory_space<vmem_shared>> -> memref<80x128xf32, #tpu.memory_space<vmem_shared>>
      tpu.enqueue_dma source(%arg8 : memref<80x128xf32, #tpu.memory_space<vmem>>) target(%dma_start3A_52 : memref<80x128xf32, #tpu.memory_space<vmem_shared>>) target_semaphore(%run_scoped3A : memref<!tpu.dma_semaphore, #tpu.memory_space<semaphore_mem>>)
      %dma_wait3A = arith.constant 0 : i32
      %dma_wait3A_53 = tpu.memref_slice %arg9[%add3A_22, %dma_wait3A] : memref<10240x128xf32, #tpu.memory_space<vmem_shared>> -> memref<80x128xf32, #tpu.memory_space<vmem_shared>>
      %dma_wait3A_54 = arith.constant 0 : i32
      %dma_wait3A_55 = tpu.memref_slice %arg9[%add3A_22, %dma_wait3A_54] : memref<10240x128xf32, #tpu.memory_space<vmem_shared>> -> memref<80x128xf32, #tpu.memory_space<vmem_shared>>
      tpu.wait_dma2 semaphore(%run_scoped3A : memref<!tpu.dma_semaphore, #tpu.memory_space<semaphore_mem>>) src(%arg8 : memref<80x128xf32, #tpu.memory_space<vmem>>) dst(%dma_wait3A_55 : memref<80x128xf32, #tpu.memory_space<vmem_shared>>)
      tpu.yield
    }) : () -> ()
    %mul3A_23 = arith.constant 640 : i32
    %mul3A_24 = arith.muli %arg1, %mul3A_23 : i32
    %add3A_25 = arith.constant 320 : i32
    %add3A_26 = arith.addi %mul3A_24, %add3A_25 : i32
    "tpu.region"() ({
      %run_scoped3A = tpu.sem_alloc : memref<!tpu.dma_semaphore, #tpu.memory_space<semaphore_mem>>
      %dma_start3A = arith.constant 0 : i32
      %dma_start3A_50 = tpu.memref_slice %arg9[%add3A_26, %dma_start3A] : memref<10240x128xf32, #tpu.memory_space<vmem_shared>> -> memref<80x128xf32, #tpu.memory_space<vmem_shared>>
      %dma_start3A_51 = arith.constant 0 : i32
      %dma_start3A_52 = tpu.memref_slice %arg9[%add3A_26, %dma_start3A_51] : memref<10240x128xf32, #tpu.memory_space<vmem_shared>> -> memref<80x128xf32, #tpu.memory_space<vmem_shared>>
      tpu.enqueue_dma source(%arg8 : memref<80x128xf32, #tpu.memory_space<vmem>>) target(%dma_start3A_52 : memref<80x128xf32, #tpu.memory_space<vmem_shared>>) target_semaphore(%run_scoped3A : memref<!tpu.dma_semaphore, #tpu.memory_space<semaphore_mem>>)
      %dma_wait3A = arith.constant 0 : i32
      %dma_wait3A_53 = tpu.memref_slice %arg9[%add3A_26, %dma_wait3A] : memref<10240x128xf32, #tpu.memory_space<vmem_shared>> -> memref<80x128xf32, #tpu.memory_space<vmem_shared>>
      %dma_wait3A_54 = arith.constant 0 : i32
      %dma_wait3A_55 = tpu.memref_slice %arg9[%add3A_26, %dma_wait3A_54] : memref<10240x128xf32, #tpu.memory_space<vmem_shared>> -> memref<80x128xf32, #tpu.memory_space<vmem_shared>>
      tpu.wait_dma2 semaphore(%run_scoped3A : memref<!tpu.dma_semaphore, #tpu.memory_space<semaphore_mem>>) src(%arg8 : memref<80x128xf32, #tpu.memory_space<vmem>>) dst(%dma_wait3A_55 : memref<80x128xf32, #tpu.memory_space<vmem_shared>>)
      tpu.yield
    }) : () -> ()
    %mul3A_27 = arith.constant 640 : i32
    %mul3A_28 = arith.muli %arg1, %mul3A_27 : i32
    %add3A_29 = arith.constant 400 : i32
    %add3A_30 = arith.addi %mul3A_28, %add3A_29 : i32
    "tpu.region"() ({
      %run_scoped3A = tpu.sem_alloc : memref<!tpu.dma_semaphore, #tpu.memory_space<semaphore_mem>>
      %dma_start3A = arith.constant 0 : i32
      %dma_start3A_50 = tpu.memref_slice %arg9[%add3A_30, %dma_start3A] : memref<10240x128xf32, #tpu.memory_space<vmem_shared>> -> memref<80x128xf32, #tpu.memory_space<vmem_shared>>
      %dma_start3A_51 = arith.constant 0 : i32
      %dma_start3A_52 = tpu.memref_slice %arg9[%add3A_30, %dma_start3A_51] : memref<10240x128xf32, #tpu.memory_space<vmem_shared>> -> memref<80x128xf32, #tpu.memory_space<vmem_shared>>
      tpu.enqueue_dma source(%arg8 : memref<80x128xf32, #tpu.memory_space<vmem>>) target(%dma_start3A_52 : memref<80x128xf32, #tpu.memory_space<vmem_shared>>) target_semaphore(%run_scoped3A : memref<!tpu.dma_semaphore, #tpu.memory_space<semaphore_mem>>)
      %dma_wait3A = arith.constant 0 : i32
      %dma_wait3A_53 = tpu.memref_slice %arg9[%add3A_30, %dma_wait3A] : memref<10240x128xf32, #tpu.memory_space<vmem_shared>> -> memref<80x128xf32, #tpu.memory_space<vmem_shared>>
      %dma_wait3A_54 = arith.constant 0 : i32
      %dma_wait3A_55 = tpu.memref_slice %arg9[%add3A_30, %dma_wait3A_54] : memref<10240x128xf32, #tpu.memory_space<vmem_shared>> -> memref<80x128xf32, #tpu.memory_space<vmem_shared>>
      tpu.wait_dma2 semaphore(%run_scoped3A : memref<!tpu.dma_semaphore, #tpu.memory_space<semaphore_mem>>) src(%arg8 : memref<80x128xf32, #tpu.memory_space<vmem>>) dst(%dma_wait3A_55 : memref<80x128xf32, #tpu.memory_space<vmem_shared>>)
      tpu.yield
    }) : () -> ()
    %mul3A_31 = arith.constant 640 : i32
    %mul3A_32 = arith.muli %arg1, %mul3A_31 : i32
    %add3A_33 = arith.constant 480 : i32
    %add3A_34 = arith.addi %mul3A_32, %add3A_33 : i32
    "tpu.region"() ({
      %run_scoped3A = tpu.sem_alloc : memref<!tpu.dma_semaphore, #tpu.memory_space<semaphore_mem>>
      %dma_start3A = arith.constant 0 : i32
      %dma_start3A_50 = tpu.memref_slice %arg9[%add3A_34, %dma_start3A] : memref<10240x128xf32, #tpu.memory_space<vmem_shared>> -> memref<80x128xf32, #tpu.memory_space<vmem_shared>>
      %dma_start3A_51 = arith.constant 0 : i32
      %dma_start3A_52 = tpu.memref_slice %arg9[%add3A_34, %dma_start3A_51] : memref<10240x128xf32, #tpu.memory_space<vmem_shared>> -> memref<80x128xf32, #tpu.memory_space<vmem_shared>>
      tpu.enqueue_dma source(%arg8 : memref<80x128xf32, #tpu.memory_space<vmem>>) target(%dma_start3A_52 : memref<80x128xf32, #tpu.memory_space<vmem_shared>>) target_semaphore(%run_scoped3A : memref<!tpu.dma_semaphore, #tpu.memory_space<semaphore_mem>>)
      %dma_wait3A = arith.constant 0 : i32
      %dma_wait3A_53 = tpu.memref_slice %arg9[%add3A_34, %dma_wait3A] : memref<10240x128xf32, #tpu.memory_space<vmem_shared>> -> memref<80x128xf32, #tpu.memory_space<vmem_shared>>
      %dma_wait3A_54 = arith.constant 0 : i32
      %dma_wait3A_55 = tpu.memref_slice %arg9[%add3A_34, %dma_wait3A_54] : memref<10240x128xf32, #tpu.memory_space<vmem_shared>> -> memref<80x128xf32, #tpu.memory_space<vmem_shared>>
      tpu.wait_dma2 semaphore(%run_scoped3A : memref<!tpu.dma_semaphore, #tpu.memory_space<semaphore_mem>>) src(%arg8 : memref<80x128xf32, #tpu.memory_space<vmem>>) dst(%dma_wait3A_55 : memref<80x128xf32, #tpu.memory_space<vmem_shared>>)
      tpu.yield
    }) : () -> ()
    %mul3A_35 = arith.constant 640 : i32
    %mul3A_36 = arith.muli %arg1, %mul3A_35 : i32
    %add3A_37 = arith.constant 560 : i32
    %add3A_38 = arith.addi %mul3A_36, %add3A_37 : i32
    "tpu.region"() ({
      %run_scoped3A = tpu.sem_alloc : memref<!tpu.dma_semaphore, #tpu.memory_space<semaphore_mem>>
      %dma_start3A = arith.constant 0 : i32
      %dma_start3A_50 = tpu.memref_slice %arg9[%add3A_38, %dma_start3A] : memref<10240x128xf32, #tpu.memory_space<vmem_shared>> -> memref<80x128xf32, #tpu.memory_space<vmem_shared>>
      %dma_start3A_51 = arith.constant 0 : i32
      %dma_start3A_52 = tpu.memref_slice %arg9[%add3A_38, %dma_start3A_51] : memref<10240x128xf32, #tpu.memory_space<vmem_shared>> -> memref<80x128xf32, #tpu.memory_space<vmem_shared>>
      tpu.enqueue_dma source(%arg8 : memref<80x128xf32, #tpu.memory_space<vmem>>) target(%dma_start3A_52 : memref<80x128xf32, #tpu.memory_space<vmem_shared>>) target_semaphore(%run_scoped3A : memref<!tpu.dma_semaphore, #tpu.memory_space<semaphore_mem>>)
      %dma_wait3A = arith.constant 0 : i32
      %dma_wait3A_53 = tpu.memref_slice %arg9[%add3A_38, %dma_wait3A] : memref<10240x128xf32, #tpu.memory_space<vmem_shared>> -> memref<80x128xf32, #tpu.memory_space<vmem_shared>>
      %dma_wait3A_54 = arith.constant 0 : i32
      %dma_wait3A_55 = tpu.memref_slice %arg9[%add3A_38, %dma_wait3A_54] : memref<10240x128xf32, #tpu.memory_space<vmem_shared>> -> memref<80x128xf32, #tpu.memory_space<vmem_shared>>
      tpu.wait_dma2 semaphore(%run_scoped3A : memref<!tpu.dma_semaphore, #tpu.memory_space<semaphore_mem>>) src(%arg8 : memref<80x128xf32, #tpu.memory_space<vmem>>) dst(%dma_wait3A_55 : memref<80x128xf32, #tpu.memory_space<vmem_shared>>)
      tpu.yield
    }) : () -> ()
    %barrier3A = arith.constant 0 : index
    tpu.barrier barrier_id(%barrier3A)
    %scan3A_39 = arith.constant 0 : i32
    %scan3A_40 = arith.constant 0 : i32
    %scan3A_41 = arith.constant 5 : i32
    %scan3A_42 = arith.addi %scan3A_40, %scan3A_41 : i32
    %scan3A_43 = arith.constant 1 : i32
    scf.for %scan3A_50 = %scan3A_40 to %scan3A_42 step %scan3A_43  : i32 {
      "tpu.region"() ({
        %run_scoped3A = tpu.sem_alloc : memref<!tpu.dma_semaphore, #tpu.memory_space<semaphore_mem>>
        %dma_start3A = arith.constant 0 : i32
        %dma_start3A_56 = arith.constant 0 : i32
        %dma_start3A_57 = tpu.memref_slice %arg3[%add3A, %scan3A_50, %dma_start3A, %dma_start3A_56] : memref<32x5x25x80xi32, #tpu.memory_space<hbm>> -> memref<1x1x25x80xi32, #tpu.memory_space<hbm>>
        %dma_start3A_58 = tpu.memref_squeeze %dma_start3A_57 : memref<1x1x25x80xi32, #tpu.memory_space<hbm>> -> memref<25x80xi32, #tpu.memory_space<hbm>>
        %dma_start3A_59 = arith.constant 0 : i32
        %dma_start3A_60 = arith.constant 0 : i32
        %dma_start3A_61 = tpu.memref_slice %arg3[%add3A, %scan3A_50, %dma_start3A_59, %dma_start3A_60] : memref<32x5x25x80xi32, #tpu.memory_space<hbm>> -> memref<1x1x25x80xi32, #tpu.memory_space<hbm>>
        %dma_start3A_62 = tpu.memref_squeeze %dma_start3A_61 : memref<1x1x25x80xi32, #tpu.memory_space<hbm>> -> memref<25x80xi32, #tpu.memory_space<hbm>>
        tpu.enqueue_dma source(%dma_start3A_62 : memref<25x80xi32, #tpu.memory_space<hbm>>) target(%arg6 : memref<25x80xi32, #tpu.memory_space<vmem>>) target_semaphore(%run_scoped3A : memref<!tpu.dma_semaphore, #tpu.memory_space<semaphore_mem>>)
        %dma_wait3A = arith.constant 0 : i32
        %dma_wait3A_63 = arith.constant 0 : i32
        %dma_wait3A_64 = tpu.memref_slice %arg3[%add3A, %scan3A_50, %dma_wait3A, %dma_wait3A_63] : memref<32x5x25x80xi32, #tpu.memory_space<hbm>> -> memref<1x1x25x80xi32, #tpu.memory_space<hbm>>
        %dma_wait3A_65 = tpu.memref_squeeze %dma_wait3A_64 : memref<1x1x25x80xi32, #tpu.memory_space<hbm>> -> memref<25x80xi32, #tpu.memory_space<hbm>>
        %dma_wait3A_66 = arith.constant 0 : i32
        %dma_wait3A_67 = arith.constant 0 : i32
        %dma_wait3A_68 = tpu.memref_slice %arg3[%add3A, %scan3A_50, %dma_wait3A_66, %dma_wait3A_67] : memref<32x5x25x80xi32, #tpu.memory_space<hbm>> -> memref<1x1x25x80xi32, #tpu.memory_space<hbm>>
        %dma_wait3A_69 = tpu.memref_squeeze %dma_wait3A_68 : memref<1x1x25x80xi32, #tpu.memory_space<hbm>> -> memref<25x80xi32, #tpu.memory_space<hbm>>
        tpu.wait_dma2 semaphore(%run_scoped3A : memref<!tpu.dma_semaphore, #tpu.memory_space<semaphore_mem>>) src(%dma_wait3A_69 : memref<25x80xi32, #tpu.memory_space<hbm>>) dst(%arg6 : memref<25x80xi32, #tpu.memory_space<vmem>>)
        tpu.yield
      }) : () -> ()
      "tpu.region"() ({
        %run_scoped3A = tpu.sem_alloc : memref<!tpu.dma_semaphore, #tpu.memory_space<semaphore_mem>>
        %dma_start3A = arith.constant 0 : i32
        %dma_start3A_56 = arith.constant 0 : i32
        %dma_start3A_57 = tpu.memref_slice %arg4[%add3A, %scan3A_50, %dma_start3A, %dma_start3A_56] : memref<32x5x25x80xi32, #tpu.memory_space<hbm>> -> memref<1x1x25x80xi32, #tpu.memory_space<hbm>>
        %dma_start3A_58 = tpu.memref_squeeze %dma_start3A_57 : memref<1x1x25x80xi32, #tpu.memory_space<hbm>> -> memref<25x80xi32, #tpu.memory_space<hbm>>
        %dma_start3A_59 = arith.constant 0 : i32
        %dma_start3A_60 = arith.constant 0 : i32
        %dma_start3A_61 = tpu.memref_slice %arg4[%add3A, %scan3A_50, %dma_start3A_59, %dma_start3A_60] : memref<32x5x25x80xi32, #tpu.memory_space<hbm>> -> memref<1x1x25x80xi32, #tpu.memory_space<hbm>>
        %dma_start3A_62 = tpu.memref_squeeze %dma_start3A_61 : memref<1x1x25x80xi32, #tpu.memory_space<hbm>> -> memref<25x80xi32, #tpu.memory_space<hbm>>
        tpu.enqueue_dma source(%dma_start3A_62 : memref<25x80xi32, #tpu.memory_space<hbm>>) target(%arg7 : memref<25x80xi32, #tpu.memory_space<vmem>>) target_semaphore(%run_scoped3A : memref<!tpu.dma_semaphore, #tpu.memory_space<semaphore_mem>>)
        %dma_wait3A = arith.constant 0 : i32
        %dma_wait3A_63 = arith.constant 0 : i32
        %dma_wait3A_64 = tpu.memref_slice %arg4[%add3A, %scan3A_50, %dma_wait3A, %dma_wait3A_63] : memref<32x5x25x80xi32, #tpu.memory_space<hbm>> -> memref<1x1x25x80xi32, #tpu.memory_space<hbm>>
        %dma_wait3A_65 = tpu.memref_squeeze %dma_wait3A_64 : memref<1x1x25x80xi32, #tpu.memory_space<hbm>> -> memref<25x80xi32, #tpu.memory_space<hbm>>
        %dma_wait3A_66 = arith.constant 0 : i32
        %dma_wait3A_67 = arith.constant 0 : i32
        %dma_wait3A_68 = tpu.memref_slice %arg4[%add3A, %scan3A_50, %dma_wait3A_66, %dma_wait3A_67] : memref<32x5x25x80xi32, #tpu.memory_space<hbm>> -> memref<1x1x25x80xi32, #tpu.memory_space<hbm>>
        %dma_wait3A_69 = tpu.memref_squeeze %dma_wait3A_68 : memref<1x1x25x80xi32, #tpu.memory_space<hbm>> -> memref<25x80xi32, #tpu.memory_space<hbm>>
        tpu.wait_dma2 semaphore(%run_scoped3A : memref<!tpu.dma_semaphore, #tpu.memory_space<semaphore_mem>>) src(%dma_wait3A_69 : memref<25x80xi32, #tpu.memory_space<hbm>>) dst(%arg7 : memref<25x80xi32, #tpu.memory_space<vmem>>)
        tpu.yield
      }) : () -> ()
      %scan3A_51 = arith.constant 0 : i32
      %scan3A_52 = arith.constant 25 : i32
      %scan3A_53 = arith.addi %scan3A_51, %scan3A_52 : i32
      %scan3A_54 = arith.constant 1 : i32
      scf.for %scan3A_56 = %scan3A_51 to %scan3A_53 step %scan3A_54  : i32 {
        %dma_start3A = arith.constant 0 : i32
        %dma_start3A_57 = tpu.memref_slice %arg6[%scan3A_56, %dma_start3A] : memref<25x80xi32, #tpu.memory_space<vmem>> -> memref<1x80xi32, #tpu.memory_space<vmem>>
        %dma_start3A_58 = tpu.memref_squeeze %dma_start3A_57 : memref<1x80xi32, #tpu.memory_space<vmem>> -> memref<80xi32, #tpu.memory_space<vmem>>
        %dma_start3A_59 = arith.constant 0 : i32
        %dma_start3A_60 = arith.constant 0 : i32
        %dma_start3A_61 = tpu.memref_slice %arg2[%dma_start3A_59, %dma_start3A_60] : memref<10000x128xf32, #tpu.memory_space<hbm>> -> memref<10000x128xf32, #tpu.memory_space<hbm>>
        tpu.enqueue_indirect_dma source(%dma_start3A_61 : memref<10000x128xf32, #tpu.memory_space<hbm>>) target(%arg8 : memref<80x128xf32, #tpu.memory_space<vmem>>) offsets(%dma_start3A_58 : memref<80xi32, #tpu.memory_space<vmem>>) semaphore(%arg10 : memref<!tpu.dma_semaphore, #tpu.memory_space<semaphore_mem>>)
        %dma_wait3A = arith.constant 0 : i32
        %dma_wait3A_62 = tpu.memref_slice %arg6[%scan3A_56, %dma_wait3A] : memref<25x80xi32, #tpu.memory_space<vmem>> -> memref<1x80xi32, #tpu.memory_space<vmem>>
        %dma_wait3A_63 = tpu.memref_squeeze %dma_wait3A_62 : memref<1x80xi32, #tpu.memory_space<vmem>> -> memref<80xi32, #tpu.memory_space<vmem>>
        %dma_wait3A_64 = arith.constant 0 : i32
        %dma_wait3A_65 = arith.constant 0 : i32
        %dma_wait3A_66 = tpu.memref_slice %arg2[%dma_wait3A_64, %dma_wait3A_65] : memref<10000x128xf32, #tpu.memory_space<hbm>> -> memref<10000x128xf32, #tpu.memory_space<hbm>>
        tpu.wait_indirect_dma semaphore(%arg10 : memref<!tpu.dma_semaphore, #tpu.memory_space<semaphore_mem>>) src(%dma_wait3A_66 : memref<10000x128xf32, #tpu.memory_space<hbm>>) dst(%arg8 : memref<80x128xf32, #tpu.memory_space<vmem>>)
        "tpu.region"() ({
          %run_scoped3A = tpu.sem_alloc : memref<!tpu.dma_semaphore, #tpu.memory_space<semaphore_mem>>
          %dma_start3A_67 = arith.constant 0 : i32
          %dma_start3A_68 = tpu.memref_slice %arg7[%scan3A_56, %dma_start3A_67] : memref<25x80xi32, #tpu.memory_space<vmem>> -> memref<1x80xi32, #tpu.memory_space<vmem>>
          %dma_start3A_69 = tpu.memref_squeeze %dma_start3A_68 : memref<1x80xi32, #tpu.memory_space<vmem>> -> memref<80xi32, #tpu.memory_space<vmem>>
          %dma_start3A_70 = arith.constant 0 : i32
          %dma_start3A_71 = arith.constant 0 : i32
          %dma_start3A_72 = tpu.memref_slice %arg9[%dma_start3A_70, %dma_start3A_71] : memref<10240x128xf32, #tpu.memory_space<vmem_shared>> -> memref<10240x128xf32, #tpu.memory_space<vmem_shared>>
          tpu.enqueue_indirect_dma source(%arg8 : memref<80x128xf32, #tpu.memory_space<vmem>>) target(%dma_start3A_72 : memref<10240x128xf32, #tpu.memory_space<vmem_shared>>) offsets(%dma_start3A_69 : memref<80xi32, #tpu.memory_space<vmem>>) semaphore(%run_scoped3A : memref<!tpu.dma_semaphore, #tpu.memory_space<semaphore_mem>>) {add = true}
          %dma_wait3A_73 = arith.constant 0 : i32
          %dma_wait3A_74 = tpu.memref_slice %arg7[%scan3A_56, %dma_wait3A_73] : memref<25x80xi32, #tpu.memory_space<vmem>> -> memref<1x80xi32, #tpu.memory_space<vmem>>
          %dma_wait3A_75 = tpu.memref_squeeze %dma_wait3A_74 : memref<1x80xi32, #tpu.memory_space<vmem>> -> memref<80xi32, #tpu.memory_space<vmem>>
          %dma_wait3A_76 = arith.constant 0 : i32
          %dma_wait3A_77 = arith.constant 0 : i32
          %dma_wait3A_78 = tpu.memref_slice %arg9[%dma_wait3A_76, %dma_wait3A_77] : memref<10240x128xf32, #tpu.memory_space<vmem_shared>> -> memref<10240x128xf32, #tpu.memory_space<vmem_shared>>
          tpu.wait_indirect_dma semaphore(%run_scoped3A : memref<!tpu.dma_semaphore, #tpu.memory_space<semaphore_mem>>) src(%arg8 : memref<80x128xf32, #tpu.memory_space<vmem>>) dst(%dma_wait3A_78 : memref<10240x128xf32, #tpu.memory_space<vmem_shared>>)
          tpu.yield
        }) : () -> ()
      }
      %scan3A_55 = arith.constant 25 : i32
    }
    %scan3A_44 = arith.constant 5 : i32
    %barrier3A_45 = arith.constant 0 : index
    tpu.barrier barrier_id(%barrier3A_45)
    %mul3A_46 = arith.constant 640 : i32
    %mul3A_47 = arith.muli %arg1, %mul3A_46 : i32
    %mul3A_48 = arith.constant 640 : i32
    %mul3A_49 = arith.muli %arg1, %mul3A_48 : i32
    "tpu.region"() ({
      %run_scoped3A = tpu.sem_alloc : memref<!tpu.dma_semaphore, #tpu.memory_space<semaphore_mem>>
      %dma_start3A = arith.constant 0 : i32
      %dma_start3A_50 = tpu.memref_slice %arg5[%arg0, %mul3A_49, %dma_start3A] : memref<2x10240x128xf32, #tpu.memory_space<hbm>> -> memref<1x640x128xf32, #tpu.memory_space<hbm>>
      %dma_start3A_51 = tpu.memref_squeeze %dma_start3A_50 : memref<1x640x128xf32, #tpu.memory_space<hbm>> -> memref<640x128xf32, #tpu.memory_space<hbm>>
      %dma_start3A_52 = arith.constant 0 : i32
      %dma_start3A_53 = tpu.memref_slice %arg9[%mul3A_47, %dma_start3A_52] : memref<10240x128xf32, #tpu.memory_space<vmem_shared>> -> memref<640x128xf32, #tpu.memory_space<vmem_shared>>
      tpu.enqueue_dma source(%dma_start3A_53 : memref<640x128xf32, #tpu.memory_space<vmem_shared>>) target(%dma_start3A_51 : memref<640x128xf32, #tpu.memory_space<hbm>>) target_semaphore(%run_scoped3A : memref<!tpu.dma_semaphore, #tpu.memory_space<semaphore_mem>>)
      %dma_wait3A = arith.constant 0 : i32
      %dma_wait3A_54 = tpu.memref_slice %arg5[%arg0, %mul3A_49, %dma_wait3A] : memref<2x10240x128xf32, #tpu.memory_space<hbm>> -> memref<1x640x128xf32, #tpu.memory_space<hbm>>
      %dma_wait3A_55 = tpu.memref_squeeze %dma_wait3A_54 : memref<1x640x128xf32, #tpu.memory_space<hbm>> -> memref<640x128xf32, #tpu.memory_space<hbm>>
      %dma_wait3A_56 = arith.constant 0 : i32
      %dma_wait3A_57 = tpu.memref_slice %arg9[%mul3A_47, %dma_wait3A_56] : memref<10240x128xf32, #tpu.memory_space<vmem_shared>> -> memref<640x128xf32, #tpu.memory_space<vmem_shared>>
      tpu.wait_dma2 semaphore(%run_scoped3A : memref<!tpu.dma_semaphore, #tpu.memory_space<semaphore_mem>>) src(%dma_wait3A_57 : memref<640x128xf32, #tpu.memory_space<vmem_shared>>) dst(%dma_wait3A_55 : memref<640x128xf32, #tpu.memory_space<hbm>>)
      tpu.yield
    }) : () -> ()
    return
  }
}

#map = affine_map<(d0, d1) -> (0, 0, 0, 0)>
#map1 = affine_map<(d0, d1) -> (0, 0, 0)>
module attributes {stable_mosaic.version = 14 : i64} {
  func.func @_deg_body(%arg0: i32, %arg1: i32, %arg2: memref<32x5x25x80xi32, #tpu.memory_space<hbm>>, %arg3: memref<2x10240x128xf32, #tpu.memory_space<hbm>>, %arg4: memref<25x80xi32, #tpu.memory_space<vmem>>, %arg5: memref<80x128xf32, #tpu.memory_space<vmem>>, %arg6: memref<10240x128xf32, #tpu.memory_space<vmem_shared>>) attributes {dimension_semantics = [#tpu.dimension_semantics<core_parallel>, #tpu.dimension_semantics<subcore_parallel>], iteration_bounds = array<i64: 2, 16>, scalar_prefetch = 0 : i64, scratch_operands = 3 : i64, tpu.core_type = #tpu.core_type<sc_vector_subcore>, window_params = [{transform_indices = #map}, {transform_indices = #map1}]} {
    %mul3A = arith.constant 2 : i32
    %mul3A_0 = arith.muli %arg1, %mul3A : i32
    %add3A = arith.addi %mul3A_0, %arg0 : i32
    %broadcast_in_dim3A = arith.constant 0.000000e+00 : f32
    %broadcast_in_dim3A_1 = vector.broadcast %broadcast_in_dim3A : f32 to vector<16xf32>
    %scan3A = arith.constant 0 : i32
    %scan3A_2 = arith.constant 0 : i32
    %scan3A_3 = arith.constant 80 : i32
    %scan3A_4 = arith.addi %scan3A_2, %scan3A_3 : i32
    %scan3A_5 = arith.constant 1 : i32
    scf.for %scan3A_58 = %scan3A_2 to %scan3A_4 step %scan3A_5  : i32 {
      %swap3A = arith.index_cast %scan3A_58 : i32 to index
      %swap3A_59 = arith.constant 0 : index
      %swap3A_60 = tpu.vector_load %arg5[%swap3A, %swap3A_59] {strides = array<i32>} : memref<80x128xf32, #tpu.memory_space<vmem>>, vector<1x16xf32>,
      %swap3A_61 = vector.shape_cast %swap3A_60 : vector<1x16xf32> to vector<16xf32>
      %swap3A_62 = vector.shape_cast %broadcast_in_dim3A_1 : vector<16xf32> to vector<1x16xf32>
      tpu.vector_store %arg5[%swap3A, %swap3A_59], %swap3A_62 {strides = array<i32>} : memref<80x128xf32, #tpu.memory_space<vmem>>, vector<1x16xf32>,
      %swap3A_63 = arith.index_cast %scan3A_58 : i32 to index
      %swap3A_64 = arith.constant 16 : index
      %swap3A_65 = tpu.vector_load %arg5[%swap3A_63, %swap3A_64] {strides = array<i32>} : memref<80x128xf32, #tpu.memory_space<vmem>>, vector<1x16xf32>,
      %swap3A_66 = vector.shape_cast %swap3A_65 : vector<1x16xf32> to vector<16xf32>
      %swap3A_67 = vector.shape_cast %broadcast_in_dim3A_1 : vector<16xf32> to vector<1x16xf32>
      tpu.vector_store %arg5[%swap3A_63, %swap3A_64], %swap3A_67 {strides = array<i32>} : memref<80x128xf32, #tpu.memory_space<vmem>>, vector<1x16xf32>,
      %swap3A_68 = arith.index_cast %scan3A_58 : i32 to index
      %swap3A_69 = arith.constant 32 : index
      %swap3A_70 = tpu.vector_load %arg5[%swap3A_68, %swap3A_69] {strides = array<i32>} : memref<80x128xf32, #tpu.memory_space<vmem>>, vector<1x16xf32>,
      %swap3A_71 = vector.shape_cast %swap3A_70 : vector<1x16xf32> to vector<16xf32>
      %swap3A_72 = vector.shape_cast %broadcast_in_dim3A_1 : vector<16xf32> to vector<1x16xf32>
      tpu.vector_store %arg5[%swap3A_68, %swap3A_69], %swap3A_72 {strides = array<i32>} : memref<80x128xf32, #tpu.memory_space<vmem>>, vector<1x16xf32>,
      %swap3A_73 = arith.index_cast %scan3A_58 : i32 to index
      %swap3A_74 = arith.constant 48 : index
      %swap3A_75 = tpu.vector_load %arg5[%swap3A_73, %swap3A_74] {strides = array<i32>} : memref<80x128xf32, #tpu.memory_space<vmem>>, vector<1x16xf32>,
      %swap3A_76 = vector.shape_cast %swap3A_75 : vector<1x16xf32> to vector<16xf32>
      %swap3A_77 = vector.shape_cast %broadcast_in_dim3A_1 : vector<16xf32> to vector<1x16xf32>
      tpu.vector_store %arg5[%swap3A_73, %swap3A_74], %swap3A_77 {strides = array<i32>} : memref<80x128xf32, #tpu.memory_space<vmem>>, vector<1x16xf32>,
      %swap3A_78 = arith.index_cast %scan3A_58 : i32 to index
      %swap3A_79 = arith.constant 64 : index
      %swap3A_80 = tpu.vector_load %arg5[%swap3A_78, %swap3A_79] {strides = array<i32>} : memref<80x128xf32, #tpu.memory_space<vmem>>, vector<1x16xf32>,
      %swap3A_81 = vector.shape_cast %swap3A_80 : vector<1x16xf32> to vector<16xf32>
      %swap3A_82 = vector.shape_cast %broadcast_in_dim3A_1 : vector<16xf32> to vector<1x16xf32>
      tpu.vector_store %arg5[%swap3A_78, %swap3A_79], %swap3A_82 {strides = array<i32>} : memref<80x128xf32, #tpu.memory_space<vmem>>, vector<1x16xf32>,
      %swap3A_83 = arith.index_cast %scan3A_58 : i32 to index
      %swap3A_84 = arith.constant 80 : index
      %swap3A_85 = tpu.vector_load %arg5[%swap3A_83, %swap3A_84] {strides = array<i32>} : memref<80x128xf32, #tpu.memory_space<vmem>>, vector<1x16xf32>,
      %swap3A_86 = vector.shape_cast %swap3A_85 : vector<1x16xf32> to vector<16xf32>
      %swap3A_87 = vector.shape_cast %broadcast_in_dim3A_1 : vector<16xf32> to vector<1x16xf32>
      tpu.vector_store %arg5[%swap3A_83, %swap3A_84], %swap3A_87 {strides = array<i32>} : memref<80x128xf32, #tpu.memory_space<vmem>>, vector<1x16xf32>,
      %swap3A_88 = arith.index_cast %scan3A_58 : i32 to index
      %swap3A_89 = arith.constant 96 : index
      %swap3A_90 = tpu.vector_load %arg5[%swap3A_88, %swap3A_89] {strides = array<i32>} : memref<80x128xf32, #tpu.memory_space<vmem>>, vector<1x16xf32>,
      %swap3A_91 = vector.shape_cast %swap3A_90 : vector<1x16xf32> to vector<16xf32>
      %swap3A_92 = vector.shape_cast %broadcast_in_dim3A_1 : vector<16xf32> to vector<1x16xf32>
      tpu.vector_store %arg5[%swap3A_88, %swap3A_89], %swap3A_92 {strides = array<i32>} : memref<80x128xf32, #tpu.memory_space<vmem>>, vector<1x16xf32>,
      %swap3A_93 = arith.index_cast %scan3A_58 : i32 to index
      %swap3A_94 = arith.constant 112 : index
      %swap3A_95 = tpu.vector_load %arg5[%swap3A_93, %swap3A_94] {strides = array<i32>} : memref<80x128xf32, #tpu.memory_space<vmem>>, vector<1x16xf32>,
      %swap3A_96 = vector.shape_cast %swap3A_95 : vector<1x16xf32> to vector<16xf32>
      %swap3A_97 = vector.shape_cast %broadcast_in_dim3A_1 : vector<16xf32> to vector<1x16xf32>
      tpu.vector_store %arg5[%swap3A_93, %swap3A_94], %swap3A_97 {strides = array<i32>} : memref<80x128xf32, #tpu.memory_space<vmem>>, vector<1x16xf32>,
    }
    %scan3A_6 = arith.constant 80 : i32
    %mul3A_7 = arith.constant 640 : i32
    %mul3A_8 = arith.muli %arg1, %mul3A_7 : i32
    %add3A_9 = arith.constant 0 : i32
    %add3A_10 = arith.addi %mul3A_8, %add3A_9 : i32
    "tpu.region"() ({
      %run_scoped3A = tpu.sem_alloc : memref<!tpu.dma_semaphore, #tpu.memory_space<semaphore_mem>>
      %dma_start3A = arith.constant 0 : i32
      %dma_start3A_58 = tpu.memref_slice %arg6[%add3A_10, %dma_start3A] : memref<10240x128xf32, #tpu.memory_space<vmem_shared>> -> memref<80x128xf32, #tpu.memory_space<vmem_shared>>
      %dma_start3A_59 = arith.constant 0 : i32
      %dma_start3A_60 = tpu.memref_slice %arg6[%add3A_10, %dma_start3A_59] : memref<10240x128xf32, #tpu.memory_space<vmem_shared>> -> memref<80x128xf32, #tpu.memory_space<vmem_shared>>
      tpu.enqueue_dma source(%arg5 : memref<80x128xf32, #tpu.memory_space<vmem>>) target(%dma_start3A_60 : memref<80x128xf32, #tpu.memory_space<vmem_shared>>) target_semaphore(%run_scoped3A : memref<!tpu.dma_semaphore, #tpu.memory_space<semaphore_mem>>)
      %dma_wait3A = arith.constant 0 : i32
      %dma_wait3A_61 = tpu.memref_slice %arg6[%add3A_10, %dma_wait3A] : memref<10240x128xf32, #tpu.memory_space<vmem_shared>> -> memref<80x128xf32, #tpu.memory_space<vmem_shared>>
      %dma_wait3A_62 = arith.constant 0 : i32
      %dma_wait3A_63 = tpu.memref_slice %arg6[%add3A_10, %dma_wait3A_62] : memref<10240x128xf32, #tpu.memory_space<vmem_shared>> -> memref<80x128xf32, #tpu.memory_space<vmem_shared>>
      tpu.wait_dma2 semaphore(%run_scoped3A : memref<!tpu.dma_semaphore, #tpu.memory_space<semaphore_mem>>) src(%arg5 : memref<80x128xf32, #tpu.memory_space<vmem>>) dst(%dma_wait3A_63 : memref<80x128xf32, #tpu.memory_space<vmem_shared>>)
      tpu.yield
    }) : () -> ()
    %mul3A_11 = arith.constant 640 : i32
    %mul3A_12 = arith.muli %arg1, %mul3A_11 : i32
    %add3A_13 = arith.constant 80 : i32
    %add3A_14 = arith.addi %mul3A_12, %add3A_13 : i32
    "tpu.region"() ({
      %run_scoped3A = tpu.sem_alloc : memref<!tpu.dma_semaphore, #tpu.memory_space<semaphore_mem>>
      %dma_start3A = arith.constant 0 : i32
      %dma_start3A_58 = tpu.memref_slice %arg6[%add3A_14, %dma_start3A] : memref<10240x128xf32, #tpu.memory_space<vmem_shared>> -> memref<80x128xf32, #tpu.memory_space<vmem_shared>>
      %dma_start3A_59 = arith.constant 0 : i32
      %dma_start3A_60 = tpu.memref_slice %arg6[%add3A_14, %dma_start3A_59] : memref<10240x128xf32, #tpu.memory_space<vmem_shared>> -> memref<80x128xf32, #tpu.memory_space<vmem_shared>>
      tpu.enqueue_dma source(%arg5 : memref<80x128xf32, #tpu.memory_space<vmem>>) target(%dma_start3A_60 : memref<80x128xf32, #tpu.memory_space<vmem_shared>>) target_semaphore(%run_scoped3A : memref<!tpu.dma_semaphore, #tpu.memory_space<semaphore_mem>>)
      %dma_wait3A = arith.constant 0 : i32
      %dma_wait3A_61 = tpu.memref_slice %arg6[%add3A_14, %dma_wait3A] : memref<10240x128xf32, #tpu.memory_space<vmem_shared>> -> memref<80x128xf32, #tpu.memory_space<vmem_shared>>
      %dma_wait3A_62 = arith.constant 0 : i32
      %dma_wait3A_63 = tpu.memref_slice %arg6[%add3A_14, %dma_wait3A_62] : memref<10240x128xf32, #tpu.memory_space<vmem_shared>> -> memref<80x128xf32, #tpu.memory_space<vmem_shared>>
      tpu.wait_dma2 semaphore(%run_scoped3A : memref<!tpu.dma_semaphore, #tpu.memory_space<semaphore_mem>>) src(%arg5 : memref<80x128xf32, #tpu.memory_space<vmem>>) dst(%dma_wait3A_63 : memref<80x128xf32, #tpu.memory_space<vmem_shared>>)
      tpu.yield
    }) : () -> ()
    %mul3A_15 = arith.constant 640 : i32
    %mul3A_16 = arith.muli %arg1, %mul3A_15 : i32
    %add3A_17 = arith.constant 160 : i32
    %add3A_18 = arith.addi %mul3A_16, %add3A_17 : i32
    "tpu.region"() ({
      %run_scoped3A = tpu.sem_alloc : memref<!tpu.dma_semaphore, #tpu.memory_space<semaphore_mem>>
      %dma_start3A = arith.constant 0 : i32
      %dma_start3A_58 = tpu.memref_slice %arg6[%add3A_18, %dma_start3A] : memref<10240x128xf32, #tpu.memory_space<vmem_shared>> -> memref<80x128xf32, #tpu.memory_space<vmem_shared>>
      %dma_start3A_59 = arith.constant 0 : i32
      %dma_start3A_60 = tpu.memref_slice %arg6[%add3A_18, %dma_start3A_59] : memref<10240x128xf32, #tpu.memory_space<vmem_shared>> -> memref<80x128xf32, #tpu.memory_space<vmem_shared>>
      tpu.enqueue_dma source(%arg5 : memref<80x128xf32, #tpu.memory_space<vmem>>) target(%dma_start3A_60 : memref<80x128xf32, #tpu.memory_space<vmem_shared>>) target_semaphore(%run_scoped3A : memref<!tpu.dma_semaphore, #tpu.memory_space<semaphore_mem>>)
      %dma_wait3A = arith.constant 0 : i32
      %dma_wait3A_61 = tpu.memref_slice %arg6[%add3A_18, %dma_wait3A] : memref<10240x128xf32, #tpu.memory_space<vmem_shared>> -> memref<80x128xf32, #tpu.memory_space<vmem_shared>>
      %dma_wait3A_62 = arith.constant 0 : i32
      %dma_wait3A_63 = tpu.memref_slice %arg6[%add3A_18, %dma_wait3A_62] : memref<10240x128xf32, #tpu.memory_space<vmem_shared>> -> memref<80x128xf32, #tpu.memory_space<vmem_shared>>
      tpu.wait_dma2 semaphore(%run_scoped3A : memref<!tpu.dma_semaphore, #tpu.memory_space<semaphore_mem>>) src(%arg5 : memref<80x128xf32, #tpu.memory_space<vmem>>) dst(%dma_wait3A_63 : memref<80x128xf32, #tpu.memory_space<vmem_shared>>)
      tpu.yield
    }) : () -> ()
    %mul3A_19 = arith.constant 640 : i32
    %mul3A_20 = arith.muli %arg1, %mul3A_19 : i32
    %add3A_21 = arith.constant 240 : i32
    %add3A_22 = arith.addi %mul3A_20, %add3A_21 : i32
    "tpu.region"() ({
      %run_scoped3A = tpu.sem_alloc : memref<!tpu.dma_semaphore, #tpu.memory_space<semaphore_mem>>
      %dma_start3A = arith.constant 0 : i32
      %dma_start3A_58 = tpu.memref_slice %arg6[%add3A_22, %dma_start3A] : memref<10240x128xf32, #tpu.memory_space<vmem_shared>> -> memref<80x128xf32, #tpu.memory_space<vmem_shared>>
      %dma_start3A_59 = arith.constant 0 : i32
      %dma_start3A_60 = tpu.memref_slice %arg6[%add3A_22, %dma_start3A_59] : memref<10240x128xf32, #tpu.memory_space<vmem_shared>> -> memref<80x128xf32, #tpu.memory_space<vmem_shared>>
      tpu.enqueue_dma source(%arg5 : memref<80x128xf32, #tpu.memory_space<vmem>>) target(%dma_start3A_60 : memref<80x128xf32, #tpu.memory_space<vmem_shared>>) target_semaphore(%run_scoped3A : memref<!tpu.dma_semaphore, #tpu.memory_space<semaphore_mem>>)
      %dma_wait3A = arith.constant 0 : i32
      %dma_wait3A_61 = tpu.memref_slice %arg6[%add3A_22, %dma_wait3A] : memref<10240x128xf32, #tpu.memory_space<vmem_shared>> -> memref<80x128xf32, #tpu.memory_space<vmem_shared>>
      %dma_wait3A_62 = arith.constant 0 : i32
      %dma_wait3A_63 = tpu.memref_slice %arg6[%add3A_22, %dma_wait3A_62] : memref<10240x128xf32, #tpu.memory_space<vmem_shared>> -> memref<80x128xf32, #tpu.memory_space<vmem_shared>>
      tpu.wait_dma2 semaphore(%run_scoped3A : memref<!tpu.dma_semaphore, #tpu.memory_space<semaphore_mem>>) src(%arg5 : memref<80x128xf32, #tpu.memory_space<vmem>>) dst(%dma_wait3A_63 : memref<80x128xf32, #tpu.memory_space<vmem_shared>>)
      tpu.yield
    }) : () -> ()
    %mul3A_23 = arith.constant 640 : i32
    %mul3A_24 = arith.muli %arg1, %mul3A_23 : i32
    %add3A_25 = arith.constant 320 : i32
    %add3A_26 = arith.addi %mul3A_24, %add3A_25 : i32
    "tpu.region"() ({
      %run_scoped3A = tpu.sem_alloc : memref<!tpu.dma_semaphore, #tpu.memory_space<semaphore_mem>>
      %dma_start3A = arith.constant 0 : i32
      %dma_start3A_58 = tpu.memref_slice %arg6[%add3A_26, %dma_start3A] : memref<10240x128xf32, #tpu.memory_space<vmem_shared>> -> memref<80x128xf32, #tpu.memory_space<vmem_shared>>
      %dma_start3A_59 = arith.constant 0 : i32
      %dma_start3A_60 = tpu.memref_slice %arg6[%add3A_26, %dma_start3A_59] : memref<10240x128xf32, #tpu.memory_space<vmem_shared>> -> memref<80x128xf32, #tpu.memory_space<vmem_shared>>
      tpu.enqueue_dma source(%arg5 : memref<80x128xf32, #tpu.memory_space<vmem>>) target(%dma_start3A_60 : memref<80x128xf32, #tpu.memory_space<vmem_shared>>) target_semaphore(%run_scoped3A : memref<!tpu.dma_semaphore, #tpu.memory_space<semaphore_mem>>)
      %dma_wait3A = arith.constant 0 : i32
      %dma_wait3A_61 = tpu.memref_slice %arg6[%add3A_26, %dma_wait3A] : memref<10240x128xf32, #tpu.memory_space<vmem_shared>> -> memref<80x128xf32, #tpu.memory_space<vmem_shared>>
      %dma_wait3A_62 = arith.constant 0 : i32
      %dma_wait3A_63 = tpu.memref_slice %arg6[%add3A_26, %dma_wait3A_62] : memref<10240x128xf32, #tpu.memory_space<vmem_shared>> -> memref<80x128xf32, #tpu.memory_space<vmem_shared>>
      tpu.wait_dma2 semaphore(%run_scoped3A : memref<!tpu.dma_semaphore, #tpu.memory_space<semaphore_mem>>) src(%arg5 : memref<80x128xf32, #tpu.memory_space<vmem>>) dst(%dma_wait3A_63 : memref<80x128xf32, #tpu.memory_space<vmem_shared>>)
      tpu.yield
    }) : () -> ()
    %mul3A_27 = arith.constant 640 : i32
    %mul3A_28 = arith.muli %arg1, %mul3A_27 : i32
    %add3A_29 = arith.constant 400 : i32
    %add3A_30 = arith.addi %mul3A_28, %add3A_29 : i32
    "tpu.region"() ({
      %run_scoped3A = tpu.sem_alloc : memref<!tpu.dma_semaphore, #tpu.memory_space<semaphore_mem>>
      %dma_start3A = arith.constant 0 : i32
      %dma_start3A_58 = tpu.memref_slice %arg6[%add3A_30, %dma_start3A] : memref<10240x128xf32, #tpu.memory_space<vmem_shared>> -> memref<80x128xf32, #tpu.memory_space<vmem_shared>>
      %dma_start3A_59 = arith.constant 0 : i32
      %dma_start3A_60 = tpu.memref_slice %arg6[%add3A_30, %dma_start3A_59] : memref<10240x128xf32, #tpu.memory_space<vmem_shared>> -> memref<80x128xf32, #tpu.memory_space<vmem_shared>>
      tpu.enqueue_dma source(%arg5 : memref<80x128xf32, #tpu.memory_space<vmem>>) target(%dma_start3A_60 : memref<80x128xf32, #tpu.memory_space<vmem_shared>>) target_semaphore(%run_scoped3A : memref<!tpu.dma_semaphore, #tpu.memory_space<semaphore_mem>>)
      %dma_wait3A = arith.constant 0 : i32
      %dma_wait3A_61 = tpu.memref_slice %arg6[%add3A_30, %dma_wait3A] : memref<10240x128xf32, #tpu.memory_space<vmem_shared>> -> memref<80x128xf32, #tpu.memory_space<vmem_shared>>
      %dma_wait3A_62 = arith.constant 0 : i32
      %dma_wait3A_63 = tpu.memref_slice %arg6[%add3A_30, %dma_wait3A_62] : memref<10240x128xf32, #tpu.memory_space<vmem_shared>> -> memref<80x128xf32, #tpu.memory_space<vmem_shared>>
      tpu.wait_dma2 semaphore(%run_scoped3A : memref<!tpu.dma_semaphore, #tpu.memory_space<semaphore_mem>>) src(%arg5 : memref<80x128xf32, #tpu.memory_space<vmem>>) dst(%dma_wait3A_63 : memref<80x128xf32, #tpu.memory_space<vmem_shared>>)
      tpu.yield
    }) : () -> ()
    %mul3A_31 = arith.constant 640 : i32
    %mul3A_32 = arith.muli %arg1, %mul3A_31 : i32
    %add3A_33 = arith.constant 480 : i32
    %add3A_34 = arith.addi %mul3A_32, %add3A_33 : i32
    "tpu.region"() ({
      %run_scoped3A = tpu.sem_alloc : memref<!tpu.dma_semaphore, #tpu.memory_space<semaphore_mem>>
      %dma_start3A = arith.constant 0 : i32
      %dma_start3A_58 = tpu.memref_slice %arg6[%add3A_34, %dma_start3A] : memref<10240x128xf32, #tpu.memory_space<vmem_shared>> -> memref<80x128xf32, #tpu.memory_space<vmem_shared>>
      %dma_start3A_59 = arith.constant 0 : i32
      %dma_start3A_60 = tpu.memref_slice %arg6[%add3A_34, %dma_start3A_59] : memref<10240x128xf32, #tpu.memory_space<vmem_shared>> -> memref<80x128xf32, #tpu.memory_space<vmem_shared>>
      tpu.enqueue_dma source(%arg5 : memref<80x128xf32, #tpu.memory_space<vmem>>) target(%dma_start3A_60 : memref<80x128xf32, #tpu.memory_space<vmem_shared>>) target_semaphore(%run_scoped3A : memref<!tpu.dma_semaphore, #tpu.memory_space<semaphore_mem>>)
      %dma_wait3A = arith.constant 0 : i32
      %dma_wait3A_61 = tpu.memref_slice %arg6[%add3A_34, %dma_wait3A] : memref<10240x128xf32, #tpu.memory_space<vmem_shared>> -> memref<80x128xf32, #tpu.memory_space<vmem_shared>>
      %dma_wait3A_62 = arith.constant 0 : i32
      %dma_wait3A_63 = tpu.memref_slice %arg6[%add3A_34, %dma_wait3A_62] : memref<10240x128xf32, #tpu.memory_space<vmem_shared>> -> memref<80x128xf32, #tpu.memory_space<vmem_shared>>
      tpu.wait_dma2 semaphore(%run_scoped3A : memref<!tpu.dma_semaphore, #tpu.memory_space<semaphore_mem>>) src(%arg5 : memref<80x128xf32, #tpu.memory_space<vmem>>) dst(%dma_wait3A_63 : memref<80x128xf32, #tpu.memory_space<vmem_shared>>)
      tpu.yield
    }) : () -> ()
    %mul3A_35 = arith.constant 640 : i32
    %mul3A_36 = arith.muli %arg1, %mul3A_35 : i32
    %add3A_37 = arith.constant 560 : i32
    %add3A_38 = arith.addi %mul3A_36, %add3A_37 : i32
    "tpu.region"() ({
      %run_scoped3A = tpu.sem_alloc : memref<!tpu.dma_semaphore, #tpu.memory_space<semaphore_mem>>
      %dma_start3A = arith.constant 0 : i32
      %dma_start3A_58 = tpu.memref_slice %arg6[%add3A_38, %dma_start3A] : memref<10240x128xf32, #tpu.memory_space<vmem_shared>> -> memref<80x128xf32, #tpu.memory_space<vmem_shared>>
      %dma_start3A_59 = arith.constant 0 : i32
      %dma_start3A_60 = tpu.memref_slice %arg6[%add3A_38, %dma_start3A_59] : memref<10240x128xf32, #tpu.memory_space<vmem_shared>> -> memref<80x128xf32, #tpu.memory_space<vmem_shared>>
      tpu.enqueue_dma source(%arg5 : memref<80x128xf32, #tpu.memory_space<vmem>>) target(%dma_start3A_60 : memref<80x128xf32, #tpu.memory_space<vmem_shared>>) target_semaphore(%run_scoped3A : memref<!tpu.dma_semaphore, #tpu.memory_space<semaphore_mem>>)
      %dma_wait3A = arith.constant 0 : i32
      %dma_wait3A_61 = tpu.memref_slice %arg6[%add3A_38, %dma_wait3A] : memref<10240x128xf32, #tpu.memory_space<vmem_shared>> -> memref<80x128xf32, #tpu.memory_space<vmem_shared>>
      %dma_wait3A_62 = arith.constant 0 : i32
      %dma_wait3A_63 = tpu.memref_slice %arg6[%add3A_38, %dma_wait3A_62] : memref<10240x128xf32, #tpu.memory_space<vmem_shared>> -> memref<80x128xf32, #tpu.memory_space<vmem_shared>>
      tpu.wait_dma2 semaphore(%run_scoped3A : memref<!tpu.dma_semaphore, #tpu.memory_space<semaphore_mem>>) src(%arg5 : memref<80x128xf32, #tpu.memory_space<vmem>>) dst(%dma_wait3A_63 : memref<80x128xf32, #tpu.memory_space<vmem_shared>>)
      tpu.yield
    }) : () -> ()
    %broadcast_in_dim3A_39 = arith.constant 1.000000e+00 : f32
    %broadcast_in_dim3A_40 = vector.broadcast %broadcast_in_dim3A_39 : f32 to vector<16xf32>
    %scan3A_41 = arith.constant 0 : i32
    %scan3A_42 = arith.constant 0 : i32
    %scan3A_43 = arith.constant 80 : i32
    %scan3A_44 = arith.addi %scan3A_42, %scan3A_43 : i32
    %scan3A_45 = arith.constant 1 : i32
    scf.for %scan3A_58 = %scan3A_42 to %scan3A_44 step %scan3A_45  : i32 {
      %swap3A = arith.index_cast %scan3A_58 : i32 to index
      %swap3A_59 = arith.constant 0 : index
      %swap3A_60 = tpu.vector_load %arg5[%swap3A, %swap3A_59] {strides = array<i32>} : memref<80x128xf32, #tpu.memory_space<vmem>>, vector<1x16xf32>,
      %swap3A_61 = vector.shape_cast %swap3A_60 : vector<1x16xf32> to vector<16xf32>
      %swap3A_62 = vector.shape_cast %broadcast_in_dim3A_40 : vector<16xf32> to vector<1x16xf32>
      tpu.vector_store %arg5[%swap3A, %swap3A_59], %swap3A_62 {strides = array<i32>} : memref<80x128xf32, #tpu.memory_space<vmem>>, vector<1x16xf32>,
      %swap3A_63 = arith.index_cast %scan3A_58 : i32 to index
      %swap3A_64 = arith.constant 16 : index
      %swap3A_65 = tpu.vector_load %arg5[%swap3A_63, %swap3A_64] {strides = array<i32>} : memref<80x128xf32, #tpu.memory_space<vmem>>, vector<1x16xf32>,
      %swap3A_66 = vector.shape_cast %swap3A_65 : vector<1x16xf32> to vector<16xf32>
      %swap3A_67 = vector.shape_cast %broadcast_in_dim3A_40 : vector<16xf32> to vector<1x16xf32>
      tpu.vector_store %arg5[%swap3A_63, %swap3A_64], %swap3A_67 {strides = array<i32>} : memref<80x128xf32, #tpu.memory_space<vmem>>, vector<1x16xf32>,
      %swap3A_68 = arith.index_cast %scan3A_58 : i32 to index
      %swap3A_69 = arith.constant 32 : index
      %swap3A_70 = tpu.vector_load %arg5[%swap3A_68, %swap3A_69] {strides = array<i32>} : memref<80x128xf32, #tpu.memory_space<vmem>>, vector<1x16xf32>,
      %swap3A_71 = vector.shape_cast %swap3A_70 : vector<1x16xf32> to vector<16xf32>
      %swap3A_72 = vector.shape_cast %broadcast_in_dim3A_40 : vector<16xf32> to vector<1x16xf32>
      tpu.vector_store %arg5[%swap3A_68, %swap3A_69], %swap3A_72 {strides = array<i32>} : memref<80x128xf32, #tpu.memory_space<vmem>>, vector<1x16xf32>,
      %swap3A_73 = arith.index_cast %scan3A_58 : i32 to index
      %swap3A_74 = arith.constant 48 : index
      %swap3A_75 = tpu.vector_load %arg5[%swap3A_73, %swap3A_74] {strides = array<i32>} : memref<80x128xf32, #tpu.memory_space<vmem>>, vector<1x16xf32>,
      %swap3A_76 = vector.shape_cast %swap3A_75 : vector<1x16xf32> to vector<16xf32>
      %swap3A_77 = vector.shape_cast %broadcast_in_dim3A_40 : vector<16xf32> to vector<1x16xf32>
      tpu.vector_store %arg5[%swap3A_73, %swap3A_74], %swap3A_77 {strides = array<i32>} : memref<80x128xf32, #tpu.memory_space<vmem>>, vector<1x16xf32>,
      %swap3A_78 = arith.index_cast %scan3A_58 : i32 to index
      %swap3A_79 = arith.constant 64 : index
      %swap3A_80 = tpu.vector_load %arg5[%swap3A_78, %swap3A_79] {strides = array<i32>} : memref<80x128xf32, #tpu.memory_space<vmem>>, vector<1x16xf32>,
      %swap3A_81 = vector.shape_cast %swap3A_80 : vector<1x16xf32> to vector<16xf32>
      %swap3A_82 = vector.shape_cast %broadcast_in_dim3A_40 : vector<16xf32> to vector<1x16xf32>
      tpu.vector_store %arg5[%swap3A_78, %swap3A_79], %swap3A_82 {strides = array<i32>} : memref<80x128xf32, #tpu.memory_space<vmem>>, vector<1x16xf32>,
      %swap3A_83 = arith.index_cast %scan3A_58 : i32 to index
      %swap3A_84 = arith.constant 80 : index
      %swap3A_85 = tpu.vector_load %arg5[%swap3A_83, %swap3A_84] {strides = array<i32>} : memref<80x128xf32, #tpu.memory_space<vmem>>, vector<1x16xf32>,
      %swap3A_86 = vector.shape_cast %swap3A_85 : vector<1x16xf32> to vector<16xf32>
      %swap3A_87 = vector.shape_cast %broadcast_in_dim3A_40 : vector<16xf32> to vector<1x16xf32>
      tpu.vector_store %arg5[%swap3A_83, %swap3A_84], %swap3A_87 {strides = array<i32>} : memref<80x128xf32, #tpu.memory_space<vmem>>, vector<1x16xf32>,
      %swap3A_88 = arith.index_cast %scan3A_58 : i32 to index
      %swap3A_89 = arith.constant 96 : index
      %swap3A_90 = tpu.vector_load %arg5[%swap3A_88, %swap3A_89] {strides = array<i32>} : memref<80x128xf32, #tpu.memory_space<vmem>>, vector<1x16xf32>,
      %swap3A_91 = vector.shape_cast %swap3A_90 : vector<1x16xf32> to vector<16xf32>
      %swap3A_92 = vector.shape_cast %broadcast_in_dim3A_40 : vector<16xf32> to vector<1x16xf32>
      tpu.vector_store %arg5[%swap3A_88, %swap3A_89], %swap3A_92 {strides = array<i32>} : memref<80x128xf32, #tpu.memory_space<vmem>>, vector<1x16xf32>,
      %swap3A_93 = arith.index_cast %scan3A_58 : i32 to index
      %swap3A_94 = arith.constant 112 : index
      %swap3A_95 = tpu.vector_load %arg5[%swap3A_93, %swap3A_94] {strides = array<i32>} : memref<80x128xf32, #tpu.memory_space<vmem>>, vector<1x16xf32>,
      %swap3A_96 = vector.shape_cast %swap3A_95 : vector<1x16xf32> to vector<16xf32>
      %swap3A_97 = vector.shape_cast %broadcast_in_dim3A_40 : vector<16xf32> to vector<1x16xf32>
      tpu.vector_store %arg5[%swap3A_93, %swap3A_94], %swap3A_97 {strides = array<i32>} : memref<80x128xf32, #tpu.memory_space<vmem>>, vector<1x16xf32>,
    }
    %scan3A_46 = arith.constant 80 : i32
    %barrier3A = arith.constant 0 : index
    tpu.barrier barrier_id(%barrier3A)
    %scan3A_47 = arith.constant 0 : i32
    %scan3A_48 = arith.constant 0 : i32
    %scan3A_49 = arith.constant 5 : i32
    %scan3A_50 = arith.addi %scan3A_48, %scan3A_49 : i32
    %scan3A_51 = arith.constant 1 : i32
    scf.for %scan3A_58 = %scan3A_48 to %scan3A_50 step %scan3A_51  : i32 {
      "tpu.region"() ({
        %run_scoped3A = tpu.sem_alloc : memref<!tpu.dma_semaphore, #tpu.memory_space<semaphore_mem>>
        %dma_start3A = arith.constant 0 : i32
        %dma_start3A_64 = arith.constant 0 : i32
        %dma_start3A_65 = tpu.memref_slice %arg2[%add3A, %scan3A_58, %dma_start3A, %dma_start3A_64] : memref<32x5x25x80xi32, #tpu.memory_space<hbm>> -> memref<1x1x25x80xi32, #tpu.memory_space<hbm>>
        %dma_start3A_66 = tpu.memref_squeeze %dma_start3A_65 : memref<1x1x25x80xi32, #tpu.memory_space<hbm>> -> memref<25x80xi32, #tpu.memory_space<hbm>>
        %dma_start3A_67 = arith.constant 0 : i32
        %dma_start3A_68 = arith.constant 0 : i32
        %dma_start3A_69 = tpu.memref_slice %arg2[%add3A, %scan3A_58, %dma_start3A_67, %dma_start3A_68] : memref<32x5x25x80xi32, #tpu.memory_space<hbm>> -> memref<1x1x25x80xi32, #tpu.memory_space<hbm>>
        %dma_start3A_70 = tpu.memref_squeeze %dma_start3A_69 : memref<1x1x25x80xi32, #tpu.memory_space<hbm>> -> memref<25x80xi32, #tpu.memory_space<hbm>>
        tpu.enqueue_dma source(%dma_start3A_70 : memref<25x80xi32, #tpu.memory_space<hbm>>) target(%arg4 : memref<25x80xi32, #tpu.memory_space<vmem>>) target_semaphore(%run_scoped3A : memref<!tpu.dma_semaphore, #tpu.memory_space<semaphore_mem>>)
        %dma_wait3A = arith.constant 0 : i32
        %dma_wait3A_71 = arith.constant 0 : i32
        %dma_wait3A_72 = tpu.memref_slice %arg2[%add3A, %scan3A_58, %dma_wait3A, %dma_wait3A_71] : memref<32x5x25x80xi32, #tpu.memory_space<hbm>> -> memref<1x1x25x80xi32, #tpu.memory_space<hbm>>
        %dma_wait3A_73 = tpu.memref_squeeze %dma_wait3A_72 : memref<1x1x25x80xi32, #tpu.memory_space<hbm>> -> memref<25x80xi32, #tpu.memory_space<hbm>>
        %dma_wait3A_74 = arith.constant 0 : i32
        %dma_wait3A_75 = arith.constant 0 : i32
        %dma_wait3A_76 = tpu.memref_slice %arg2[%add3A, %scan3A_58, %dma_wait3A_74, %dma_wait3A_75] : memref<32x5x25x80xi32, #tpu.memory_space<hbm>> -> memref<1x1x25x80xi32, #tpu.memory_space<hbm>>
        %dma_wait3A_77 = tpu.memref_squeeze %dma_wait3A_76 : memref<1x1x25x80xi32, #tpu.memory_space<hbm>> -> memref<25x80xi32, #tpu.memory_space<hbm>>
        tpu.wait_dma2 semaphore(%run_scoped3A : memref<!tpu.dma_semaphore, #tpu.memory_space<semaphore_mem>>) src(%dma_wait3A_77 : memref<25x80xi32, #tpu.memory_space<hbm>>) dst(%arg4 : memref<25x80xi32, #tpu.memory_space<vmem>>)
        tpu.yield
      }) : () -> ()
      %scan3A_59 = arith.constant 0 : i32
      %scan3A_60 = arith.constant 25 : i32
      %scan3A_61 = arith.addi %scan3A_59, %scan3A_60 : i32
      %scan3A_62 = arith.constant 1 : i32
      scf.for %scan3A_64 = %scan3A_59 to %scan3A_61 step %scan3A_62  : i32 {
        "tpu.region"() ({
          %run_scoped3A = tpu.sem_alloc : memref<!tpu.dma_semaphore, #tpu.memory_space<semaphore_mem>>
          %dma_start3A = arith.constant 0 : i32
          %dma_start3A_65 = tpu.memref_slice %arg4[%scan3A_64, %dma_start3A] : memref<25x80xi32, #tpu.memory_space<vmem>> -> memref<1x80xi32, #tpu.memory_space<vmem>>
          %dma_start3A_66 = tpu.memref_squeeze %dma_start3A_65 : memref<1x80xi32, #tpu.memory_space<vmem>> -> memref<80xi32, #tpu.memory_space<vmem>>
          %dma_start3A_67 = arith.constant 0 : i32
          %dma_start3A_68 = arith.constant 0 : i32
          %dma_start3A_69 = tpu.memref_slice %arg6[%dma_start3A_67, %dma_start3A_68] : memref<10240x128xf32, #tpu.memory_space<vmem_shared>> -> memref<10240x128xf32, #tpu.memory_space<vmem_shared>>
          tpu.enqueue_indirect_dma source(%arg5 : memref<80x128xf32, #tpu.memory_space<vmem>>) target(%dma_start3A_69 : memref<10240x128xf32, #tpu.memory_space<vmem_shared>>) offsets(%dma_start3A_66 : memref<80xi32, #tpu.memory_space<vmem>>) semaphore(%run_scoped3A : memref<!tpu.dma_semaphore, #tpu.memory_space<semaphore_mem>>) {add = true}
          %dma_wait3A = arith.constant 0 : i32
          %dma_wait3A_70 = tpu.memref_slice %arg4[%scan3A_64, %dma_wait3A] : memref<25x80xi32, #tpu.memory_space<vmem>> -> memref<1x80xi32, #tpu.memory_space<vmem>>
          %dma_wait3A_71 = tpu.memref_squeeze %dma_wait3A_70 : memref<1x80xi32, #tpu.memory_space<vmem>> -> memref<80xi32, #tpu.memory_space<vmem>>
          %dma_wait3A_72 = arith.constant 0 : i32
          %dma_wait3A_73 = arith.constant 0 : i32
          %dma_wait3A_74 = tpu.memref_slice %arg6[%dma_wait3A_72, %dma_wait3A_73] : memref<10240x128xf32, #tpu.memory_space<vmem_shared>> -> memref<10240x128xf32, #tpu.memory_space<vmem_shared>>
          tpu.wait_indirect_dma semaphore(%run_scoped3A : memref<!tpu.dma_semaphore, #tpu.memory_space<semaphore_mem>>) src(%arg5 : memref<80x128xf32, #tpu.memory_space<vmem>>) dst(%dma_wait3A_74 : memref<10240x128xf32, #tpu.memory_space<vmem_shared>>)
          tpu.yield
        }) : () -> ()
      }
      %scan3A_63 = arith.constant 25 : i32
    }
    %scan3A_52 = arith.constant 5 : i32
    %barrier3A_53 = arith.constant 0 : index
    tpu.barrier barrier_id(%barrier3A_53)
    %mul3A_54 = arith.constant 640 : i32
    %mul3A_55 = arith.muli %arg1, %mul3A_54 : i32
    %mul3A_56 = arith.constant 640 : i32
    %mul3A_57 = arith.muli %arg1, %mul3A_56 : i32
    "tpu.region"() ({
      %run_scoped3A = tpu.sem_alloc : memref<!tpu.dma_semaphore, #tpu.memory_space<semaphore_mem>>
      %dma_start3A = arith.constant 0 : i32
      %dma_start3A_58 = tpu.memref_slice %arg3[%arg0, %mul3A_57, %dma_start3A] : memref<2x10240x128xf32, #tpu.memory_space<hbm>> -> memref<1x640x128xf32, #tpu.memory_space<hbm>>
      %dma_start3A_59 = tpu.memref_squeeze %dma_start3A_58 : memref<1x640x128xf32, #tpu.memory_space<hbm>> -> memref<640x128xf32, #tpu.memory_space<hbm>>
      %dma_start3A_60 = arith.constant 0 : i32
      %dma_start3A_61 = tpu.memref_slice %arg6[%mul3A_55, %dma_start3A_60] : memref<10240x128xf32, #tpu.memory_space<vmem_shared>> -> memref<640x128xf32, #tpu.memory_space<vmem_shared>>
      tpu.enqueue_dma source(%dma_start3A_61 : memref<640x128xf32, #tpu.memory_space<vmem_shared>>) target(%dma_start3A_59 : memref<640x128xf32, #tpu.memory_space<hbm>>) target_semaphore(%run_scoped3A : memref<!tpu.dma_semaphore, #tpu.memory_space<semaphore_mem>>)
      %dma_wait3A = arith.constant 0 : i32
      %dma_wait3A_62 = tpu.memref_slice %arg3[%arg0, %mul3A_57, %dma_wait3A] : memref<2x10240x128xf32, #tpu.memory_space<hbm>> -> memref<1x640x128xf32, #tpu.memory_space<hbm>>
      %dma_wait3A_63 = tpu.memref_squeeze %dma_wait3A_62 : memref<1x640x128xf32, #tpu.memory_space<hbm>> -> memref<640x128xf32, #tpu.memory_space<hbm>>
      %dma_wait3A_64 = arith.constant 0 : i32
      %dma_wait3A_65 = tpu.memref_slice %arg6[%mul3A_55, %dma_wait3A_64] : memref<10240x128xf32, #tpu.memory_space<vmem_shared>> -> memref<640x128xf32, #tpu.memory_space<vmem_shared>>
      tpu.wait_dma2 semaphore(%run_scoped3A : memref<!tpu.dma_semaphore, #tpu.memory_space<semaphore_mem>>) src(%dma_wait3A_65 : memref<640x128xf32, #tpu.memory_space<vmem_shared>>) dst(%dma_wait3A_63 : memref<640x128xf32, #tpu.memory_space<hbm>>)
      tpu.yield
    }) : () -> ()
    return
  }
}

module attributes {stable_mosaic.version = 14 : i64} {
  func.func @_tc1_body(%arg0: memref<10000x128xf32, #tpu.memory_space<vmem>>, %arg1: memref<128x128xf32, #tpu.memory_space<vmem>>, %arg2: memref<2x10240x128xf32, #tpu.memory_space<vmem>>, %arg3: memref<10000x128xf32, #tpu.memory_space<vmem>>) attributes {dimension_semantics = [], scalar_prefetch = 0 : i64, scratch_operands = 0 : i64, tpu.core_type = #tpu.core_type<tc>} {
    %get3A = arith.constant 0 : index
    %get3A_0 = arith.constant 0 : index
    %get3A_1 = arith.constant 0 : index
    %get3A_2 = vector.load %arg2[%get3A, %get3A_0, %get3A_1] : memref<2x10240x128xf32, #tpu.memory_space<vmem>>, vector<1x10000x1xf32>
    %get3A_3 = vector.shape_cast %get3A_2 : vector<1x10000x1xf32> to vector<10000x1xf32>
    %get3A_4 = arith.constant 1 : index
    %get3A_5 = arith.constant 0 : index
    %get3A_6 = arith.constant 0 : index
    %get3A_7 = vector.load %arg2[%get3A_4, %get3A_5, %get3A_6] : memref<2x10240x128xf32, #tpu.memory_space<vmem>>, vector<1x10000x1xf32>
    %get3A_8 = vector.shape_cast %get3A_7 : vector<1x10000x1xf32> to vector<10000x1xf32>
    %add3A = arith.addf %get3A_3, %get3A_8 : vector<10000x1xf32>
    %add3A_9 = arith.constant 1.000000e+00 : f32
    %add3A_10 = vector.broadcast %add3A_9 : f32 to vector<10000x1xf32>
    %add3A_11 = arith.addf %add3A, %add3A_10 : vector<10000x1xf32>
    %rsqrt3A = math.rsqrt %add3A_11 : vector<10000x1xf32>
    %get3A_12 = arith.constant 0 : index
    %get3A_13 = arith.constant 0 : index
    %get3A_14 = vector.load %arg0[%get3A_12, %get3A_13] : memref<10000x128xf32, #tpu.memory_space<vmem>>, vector<10000x128xf32>
    %get3A_15 = arith.constant 0 : index
    %get3A_16 = arith.constant 0 : index
    %get3A_17 = vector.load %arg1[%get3A_15, %get3A_16] : memref<128x128xf32, #tpu.memory_space<vmem>>, vector<128x128xf32>
    %dot_general3A = arith.constant dense<0.000000e+00> : vector<10000x128xf32>
    %dot_general3A_18 = tpu.matmul %get3A_14, %get3A_17, %dot_general3A {dimension_numbers = #tpu.dot_dimension_numbers<[1], [0], [0], [1], [0, 0, 1, 1], [], []>, transpose_lhs_hint = false} : vector<10000x128xf32>, vector<128x128xf32>, vector<10000x128xf32> -> vector<10000x128xf32>
    %mul3A = vector.broadcast %rsqrt3A : vector<10000x1xf32> to vector<10000x128xf32>
    %mul3A_19 = arith.mulf %mul3A, %dot_general3A_18 : vector<10000x128xf32>
    %swap3A = arith.constant 0 : index
    %swap3A_20 = arith.constant 0 : index
    %swap3A_21 = vector.load %arg3[%swap3A, %swap3A_20] : memref<10000x128xf32, #tpu.memory_space<vmem>>, vector<10000x128xf32>
    tpu.vector_store %arg3[%swap3A, %swap3A_20], %mul3A_19 {strides = array<i32>} : memref<10000x128xf32, #tpu.memory_space<vmem>>, vector<10000x128xf32>,
    return
  }
}

module attributes {stable_mosaic.version = 14 : i64} {
  func.func @_tc2_body(%arg0: memref<2x10240x128xf32, #tpu.memory_space<vmem>>, %arg1: memref<10000x128xf32, #tpu.memory_space<vmem>>, %arg2: memref<2x10240x128xf32, #tpu.memory_space<vmem>>, %arg3: memref<1x128xf32, #tpu.memory_space<vmem>>, %arg4: memref<128x128xf32, #tpu.memory_space<vmem>>, %arg5: memref<10000x128xf32, #tpu.memory_space<vmem>>) attributes {dimension_semantics = [], scalar_prefetch = 0 : i64, scratch_operands = 0 : i64, tpu.core_type = #tpu.core_type<tc>} {
    %get3A = arith.constant 0 : index
    %get3A_0 = arith.constant 0 : index
    %get3A_1 = arith.constant 0 : index
    %get3A_2 = vector.load %arg2[%get3A, %get3A_0, %get3A_1] : memref<2x10240x128xf32, #tpu.memory_space<vmem>>, vector<1x10000x1xf32>
    %get3A_3 = vector.shape_cast %get3A_2 : vector<1x10000x1xf32> to vector<10000x1xf32>
    %get3A_4 = arith.constant 1 : index
    %get3A_5 = arith.constant 0 : index
    %get3A_6 = arith.constant 0 : index
    %get3A_7 = vector.load %arg2[%get3A_4, %get3A_5, %get3A_6] : memref<2x10240x128xf32, #tpu.memory_space<vmem>>, vector<1x10000x1xf32>
    %get3A_8 = vector.shape_cast %get3A_7 : vector<1x10000x1xf32> to vector<10000x1xf32>
    %add3A = arith.addf %get3A_3, %get3A_8 : vector<10000x1xf32>
    %add3A_9 = arith.constant 1.000000e+00 : f32
    %add3A_10 = vector.broadcast %add3A_9 : f32 to vector<10000x1xf32>
    %add3A_11 = arith.addf %add3A, %add3A_10 : vector<10000x1xf32>
    %rsqrt3A = math.rsqrt %add3A_11 : vector<10000x1xf32>
    %get3A_12 = arith.constant 0 : index
    %get3A_13 = arith.constant 0 : index
    %get3A_14 = arith.constant 0 : index
    %get3A_15 = vector.load %arg0[%get3A_12, %get3A_13, %get3A_14] : memref<2x10240x128xf32, #tpu.memory_space<vmem>>, vector<1x10000x128xf32>
    %get3A_16 = vector.shape_cast %get3A_15 : vector<1x10000x128xf32> to vector<10000x128xf32>
    %get3A_17 = arith.constant 1 : index
    %get3A_18 = arith.constant 0 : index
    %get3A_19 = arith.constant 0 : index
    %get3A_20 = vector.load %arg0[%get3A_17, %get3A_18, %get3A_19] : memref<2x10240x128xf32, #tpu.memory_space<vmem>>, vector<1x10000x128xf32>
    %get3A_21 = vector.shape_cast %get3A_20 : vector<1x10000x128xf32> to vector<10000x128xf32>
    %add3A_22 = arith.addf %get3A_16, %get3A_21 : vector<10000x128xf32>
    %get3A_23 = arith.constant 0 : index
    %get3A_24 = arith.constant 0 : index
    %get3A_25 = vector.load %arg1[%get3A_23, %get3A_24] : memref<10000x128xf32, #tpu.memory_space<vmem>>, vector<10000x128xf32>
    %add3A_26 = arith.addf %add3A_22, %get3A_25 : vector<10000x128xf32>
    %mul3A = vector.broadcast %rsqrt3A : vector<10000x1xf32> to vector<10000x128xf32>
    %mul3A_27 = arith.mulf %mul3A, %add3A_26 : vector<10000x128xf32>
    %get3A_28 = arith.constant 0 : index
    %get3A_29 = arith.constant 0 : index
    %get3A_30 = vector.load %arg3[%get3A_28, %get3A_29] : memref<1x128xf32, #tpu.memory_space<vmem>>, vector<1x128xf32>
    %add3A_31 = vector.broadcast %get3A_30 : vector<1x128xf32> to vector<10000x128xf32>
    %add3A_32 = arith.addf %mul3A_27, %add3A_31 : vector<10000x128xf32>
    %max3A = arith.constant 0.000000e+00 : f32
    %max3A_33 = vector.broadcast %max3A : f32 to vector<10000x128xf32>
    %max3A_34 = arith.maximumf %add3A_32, %max3A_33 : vector<10000x128xf32>
    %get3A_35 = arith.constant 0 : index
    %get3A_36 = arith.constant 0 : index
    %get3A_37 = vector.load %arg4[%get3A_35, %get3A_36] : memref<128x128xf32, #tpu.memory_space<vmem>>, vector<128x128xf32>
    %dot_general3A = arith.constant dense<0.000000e+00> : vector<10000x128xf32>
    %dot_general3A_38 = tpu.matmul %max3A_34, %get3A_37, %dot_general3A {dimension_numbers = #tpu.dot_dimension_numbers<[1], [0], [0], [1], [0, 0, 1, 1], [], []>, transpose_lhs_hint = false} : vector<10000x128xf32>, vector<128x128xf32>, vector<10000x128xf32> -> vector<10000x128xf32>
    %mul3A_39 = vector.broadcast %rsqrt3A : vector<10000x1xf32> to vector<10000x128xf32>
    %mul3A_40 = arith.mulf %mul3A_39, %dot_general3A_38 : vector<10000x128xf32>
    %swap3A = arith.constant 0 : index
    %swap3A_41 = arith.constant 0 : index
    %swap3A_42 = vector.load %arg5[%swap3A, %swap3A_41] : memref<10000x128xf32, #tpu.memory_space<vmem>>, vector<10000x128xf32>
    tpu.vector_store %arg5[%swap3A, %swap3A_41], %mul3A_40 {strides = array<i32>} : memref<10000x128xf32, #tpu.memory_space<vmem>>, vector<10000x128xf32>,
    return
  }
}

module attributes {stable_mosaic.version = 14 : i64} {
  func.func @_tc3_body(%arg0: memref<2x10240x128xf32, #tpu.memory_space<vmem>>, %arg1: memref<10000x128xf32, #tpu.memory_space<vmem>>, %arg2: memref<2x10240x128xf32, #tpu.memory_space<vmem>>, %arg3: memref<1x128xf32, #tpu.memory_space<vmem>>, %arg4: memref<10000x128xf32, #tpu.memory_space<vmem>>) attributes {dimension_semantics = [], scalar_prefetch = 0 : i64, scratch_operands = 0 : i64, tpu.core_type = #tpu.core_type<tc>} {
    %get3A = arith.constant 0 : index
    %get3A_0 = arith.constant 0 : index
    %get3A_1 = arith.constant 0 : index
    %get3A_2 = vector.load %arg2[%get3A, %get3A_0, %get3A_1] : memref<2x10240x128xf32, #tpu.memory_space<vmem>>, vector<1x10000x1xf32>
    %get3A_3 = vector.shape_cast %get3A_2 : vector<1x10000x1xf32> to vector<10000x1xf32>
    %get3A_4 = arith.constant 1 : index
    %get3A_5 = arith.constant 0 : index
    %get3A_6 = arith.constant 0 : index
    %get3A_7 = vector.load %arg2[%get3A_4, %get3A_5, %get3A_6] : memref<2x10240x128xf32, #tpu.memory_space<vmem>>, vector<1x10000x1xf32>
    %get3A_8 = vector.shape_cast %get3A_7 : vector<1x10000x1xf32> to vector<10000x1xf32>
    %add3A = arith.addf %get3A_3, %get3A_8 : vector<10000x1xf32>
    %add3A_9 = arith.constant 1.000000e+00 : f32
    %add3A_10 = vector.broadcast %add3A_9 : f32 to vector<10000x1xf32>
    %add3A_11 = arith.addf %add3A, %add3A_10 : vector<10000x1xf32>
    %rsqrt3A = math.rsqrt %add3A_11 : vector<10000x1xf32>
    %get3A_12 = arith.constant 0 : index
    %get3A_13 = arith.constant 0 : index
    %get3A_14 = arith.constant 0 : index
    %get3A_15 = vector.load %arg0[%get3A_12, %get3A_13, %get3A_14] : memref<2x10240x128xf32, #tpu.memory_space<vmem>>, vector<1x10000x128xf32>
    %get3A_16 = vector.shape_cast %get3A_15 : vector<1x10000x128xf32> to vector<10000x128xf32>
    %get3A_17 = arith.constant 1 : index
    %get3A_18 = arith.constant 0 : index
    %get3A_19 = arith.constant 0 : index
    %get3A_20 = vector.load %arg0[%get3A_17, %get3A_18, %get3A_19] : memref<2x10240x128xf32, #tpu.memory_space<vmem>>, vector<1x10000x128xf32>
    %get3A_21 = vector.shape_cast %get3A_20 : vector<1x10000x128xf32> to vector<10000x128xf32>
    %add3A_22 = arith.addf %get3A_16, %get3A_21 : vector<10000x128xf32>
    %get3A_23 = arith.constant 0 : index
    %get3A_24 = arith.constant 0 : index
    %get3A_25 = vector.load %arg1[%get3A_23, %get3A_24] : memref<10000x128xf32, #tpu.memory_space<vmem>>, vector<10000x128xf32>
    %add3A_26 = arith.addf %add3A_22, %get3A_25 : vector<10000x128xf32>
    %mul3A = vector.broadcast %rsqrt3A : vector<10000x1xf32> to vector<10000x128xf32>
    %mul3A_27 = arith.mulf %mul3A, %add3A_26 : vector<10000x128xf32>
    %get3A_28 = arith.constant 0 : index
    %get3A_29 = arith.constant 0 : index
    %get3A_30 = vector.load %arg3[%get3A_28, %get3A_29] : memref<1x128xf32, #tpu.memory_space<vmem>>, vector<1x128xf32>
    %add3A_31 = vector.broadcast %get3A_30 : vector<1x128xf32> to vector<10000x128xf32>
    %add3A_32 = arith.addf %mul3A_27, %add3A_31 : vector<10000x128xf32>
    %swap3A = arith.constant 0 : index
    %swap3A_33 = arith.constant 0 : index
    %swap3A_34 = vector.load %arg4[%swap3A, %swap3A_33] : memref<10000x128xf32, #tpu.memory_space<vmem>>, vector<10000x128xf32>
    tpu.vector_store %arg4[%swap3A, %swap3A_33], %add3A_32 {strides = array<i32>} : memref<10000x128xf32, #tpu.memory_space<vmem>>, vector<10000x128xf32>,
    return
  }
}

</mosaic_0001>

<sc_bundles>
// kernel: kernel.11.cloned.1.call-start
scs
__scs_entry_jumppad:
0x0: {  	(pc) =	sbr.rel $0x88, $3  }
0x1: {  	(tag) =	ssettag $0x0;
	lr =	simm.s32 $0x1  }
0x2: {  	[smem:$0x3F9B] =	sst lr;
	_ =	strace $0xD0000000  }
0x3: {  	_ = 	snop  }
0x4: {  	_ = 	snop  }
0x5: {  	_ = 	snop  }
0x6: {  	_ = 	snop  }
0x7: {  	_ = 	snop  }
__scs_overlays_trampoline_lowered:
0x8: {  	[smem:$0x3FAA] =	sst s0  }
0x9: {  	[smem:$0x3FAB] =	sst s1  }
0xa: {  	[smem:$0x3FAC] =	sst s2  }
0xb: {  	[smem:$0x3FAD] =	sst s3  }
0xc: {  	[smem:$0x3FAE] =	sst s4  }
0xd: {  	[smem:$0x3FAF] =	sst s5  }
0xe: {  	[smem:$0x3FB0] =	sst s6  }
0xf: {  	[smem:$0x3FB1] =	sst s7  }
0x10: {  	[smem:$0x3FB2] =	sst s8  }
0x11: {  	[smem:$0x3FB3] =	sst s9;
	s0 =	simm.s32 @!p0 $0x0  }
0x12: {  	s1 =	sld [smem:$0x3F99];
	s0 =	simm.s32 @p0 $0x1  }
0x13: {  	[smem:$0x3FB4] =	sst s0;
	s0 =	simm.s32 @!p1 $0x0  }
0x14: {  	s2 =	sld [smem:$0x3F98];
	s0 =	simm.s32 @p1 $0x1  }
0x15: {  	[smem:$0x3FB5] =	sst s0;
	s0 =	simm.s32 @!p2 $0x0  }
0x16: {  	s3 =	sld [smem:$0x3FDB];
	s0 =	simm.s32 @p2 $0x1  }
0x17: {  	s4 =	simm.s32 $0x1BF5;
	[smem:$0x3FB7] =	sst s0  }
0x18: {  	s0 =	sld [smem:$0x3F9A];
	_ =	swait.ge [sflag:s4], $0x0  }
0x19: {  	s7 =	sld [smem:$0x3F9B]  }
0x1a: {  	s8 =	sadd.s32 $0xFFFFE003, lr  }
0x1b: {  	s9 =	sadd.s32 $0xFFFFFEF7, lr;
	s5 =	simm.s32 $0xFFFFFFFF;
	p2 =	slt.u32 s8, $0xFFFFF086  }
0x1c: {  	p1 =	slt.u32 s9, $0xF7A;
	s5 =	simm.s32 @!p2 $0x0  }
0x1d: {  	s5 =	simm.s32 @p1 $0x1;
	p0 =	seq.s32 s7, s2  }
0x1e: {  	s7 =	smul.u32 @!p0 $0xF7A, s2;
	p2 =	seq.s32 @!p0 s5, $0x0  }
0x1f: {  	s9 =	smul.u32 $0xF7A, s1;
	s8 =	simm.s32 @!p0 $0x1BF5;
	p2 =	por !p2, p0  }
0x20: {  	[sflag:s8] =	ssyncset.s32 @!p0 $0xFFFFF086;
	s6 =	sadd.s32 @!p0 s3, s7;
	s7 =	simm.s32 @!p0 $0x108  }
0x21: {  	s3 =	sadd.s32 s3, s9;
	s6 =	sadd.s32 @!p0 $0x88, s6;
	s7 =	simm.s32 @p2 $0x1082  }
0x22: {  	[simem:s7], [sflag:s8] =	dma.local @!p0 [hbm:s6], $0xF7A  }
0x23: {  	s9 =	sor.u32 $0xD0000000, s2;
	s6 =	simm.s32 $0x108;
	_ =	swait.ge @!p0 [sflag:s8], $0x0  }
0x24: {  	s3 =	sadd.s32 $0x88, s3;
	s6 =	simm.s32 @!p1 $0x1082;
	[sflag:s4] =	ssyncset.s32 $0xFFFFF086  }
0x25: {  	[simem:s6], [sflag:s4] =	dma.local [hbm:s3], $0xF7A  }
0x26: {  	[smem:$0x3F9B] =	sst s1;
	(tag) =	ssettag s2;
	_ =	strace s9  }
0x27: {  	s1 =	sld [smem:$0x3FAB]  }
0x28: {  	s2 =	sld [smem:$0x3FAC]  }
0x29: {  	s4 =	sld [smem:$0x3FAE]  }
0x2a: {  	p0 =	seq.s32 s5, $0x0;
	s5 =	sld [smem:$0x3FAF]  }
0x2b: {  	s6 =	sld [smem:$0x3FB0]  }
0x2c: {  	s7 =	sld [smem:$0x3FB1]  }
0x2d: {  	s3 =	simm.s32 $0x108;
	s8 =	sld [smem:$0x3FB2]  }
0x2e: {  	s3 =	simm.s32 @!p0 $0x1082;
	s9 =	sld [smem:$0x3FB3]  }
0x2f: {  	lr =	sadd.s32 s0, s3;
	s0 =	sld [smem:$0x3FAA]  }
0x30: {  	s3 =	sld [smem:$0x3FAD]  }
0x31: {  	[smem:$0x3FB6] =	sst s10  }
0x32: {  	s10 =	sld [smem:$0x3FB4];
	_ =	sdelay $0x3  }
0x33: {  	p0 =	seq.s32 s10, $0x1;
	s10 =	sld [smem:$0x3FB6];
	_ =	sdelay $0x3  }
0x34: {  	[smem:$0x3FB6] =	sst s10  }
0x35: {  	s10 =	sld [smem:$0x3FB5];
	_ =	sdelay $0x3  }
0x36: {  	p1 =	seq.s32 s10, $0x1;
	s10 =	sld [smem:$0x3FB6];
	_ =	sdelay $0x3  }
0x37: {  	[smem:$0x3FB6] =	sst s10  }
0x38: {  	s10 =	sld [smem:$0x3FB7]  }
0x39: {  	_ = 	snop;
	(pc) =	sbr.ind lr, $3  }
0x3a: {  	_ = 	snop  }
0x3b: {  	_ = 	snop  }
0x3c: {  	p2 =	seq.s32 s10, $0x1;
	s10 =	sld [smem:$0x3FB6]  }
0x3d: {  	_ =	shalt  }
0x3e: {  	_ =	shalt  }
0x3f: {  	_ =	shalt  }
0x40: {  	_ =	shalt  }
0x41: {  	_ =	shalt  }
0x42: {  	_ =	shalt  }
0x43: {  	_ =	shalt  }
0x44: {  	_ =	shalt  }
0x45: {  	_ =	shalt  }
0x46: {  	_ =	shalt  }
0x47: {  	_ =	shalt  }
0x48: {  	_ =	shalt  }
0x49: {  	_ =	shalt  }
0x4a: {  	_ =	shalt  }
0x4b: {  	_ =	shalt  }
0x4c: {  	_ =	shalt  }
0x4d: {  	_ =	shalt  }
0x4e: {  	_ =	shalt  }
0x4f: {  	_ =	shalt  }
0x50: {  	_ =	shalt  }
0x51: {  	_ =	shalt  }
0x52: {  	_ =	shalt  }
0x53: {  	_ =	shalt  }
0x54: {  	_ =	shalt  }
0x55: {  	_ =	shalt  }
0x56: {  	_ =	shalt  }
0x57: {  	_ =	shalt  }
0x58: {  	_ =	shalt  }
0x59: {  	_ =	shalt  }
0x5a: {  	_ =	shalt  }
0x5b: {  	_ =	shalt  }
0x5c: {  	_ =	shalt  }
0x5d: {  	_ =	shalt  }
0x5e: {  	_ =	shalt  }
0x5f: {  	_ =	shalt  }
0x60: {  	_ =	shalt  }
0x61: {  	_ =	shalt  }
0x62: {  	_ =	shalt  }
0x63: {  	_ =	shalt  }
0x64: {  	_ =	shalt  }
0x65: {  	_ =	shalt  }
0x66: {  	_ =	shalt  }
0x67: {  	_ =	shalt  }
0x68: {  	_ =	shalt  }
0x69: {  	_ =	shalt  }
0x6a: {  	_ =	shalt  }
0x6b: {  	_ =	shalt  }
0x6c: {  	_ =	shalt  }
0x6d: {  	_ =	shalt  }
0x6e: {  	_ =	shalt  }
0x6f: {  	_ =	shalt  }
0x70: {  	_ =	shalt  }
0x71: {  	_ =	shalt  }
0x72: {  	_ =	shalt  }
0x73: {  	_ =	shalt  }
0x74: {  	_ =	shalt  }
0x75: {  	_ =	shalt  }
0x76: {  	_ =	shalt  }
0x77: {  	_ =	shalt  }
0x78: {  	_ =	shalt  }
0x79: {  	_ =	shalt  }
0x7a: {  	_ =	shalt  }
0x7b: {  	_ =	shalt  }
0x7c: {  	_ =	shalt  }
0x7d: {  	_ =	shalt  }
0x7e: {  	_ =	shalt  }
0x7f: {  	_ =	shalt  }
0x80: {  	_ =	shalt  }
0x81: {  	_ =	shalt  }
0x82: {  	_ =	shalt  }
0x83: {  	_ =	shalt  }
0x84: {  	_ =	shalt  }
0x85: {  	_ =	shalt  }
0x86: {  	_ =	shalt  }
0x87: {  	_ =	shalt  }
.Lfunc_end0:
.L_simem_size_0:
called_computation.1_lowered:
.L_overlay_start_0:
0x88: {  	s2 =	sld [smem:$0x3FD9]  }
0x89: {  	s3 =	sld [smem:$0x3FFE];
	_ =	sdelay $0x1  }
0x8a: {  	s1 =	srdreg.scid  }
0x8b: {  	s0 =	sand.u32 $0x1, s1  }
0x8c: {  	s17 =	sshll.u32 s0, $0xA;
	s2 =	sadd.s32 s3, s2  }
0x8d: {  	s2 =	sadd.s32 s2, s17  }
0x8e: {  	[smem:$0x3FC2] =	sst s2  }
0x8f: {  	_ = 	snop  }
0x90: {  	s2 =	sld [smem:$0x3FD0];
	(tm) =	ssettm $0x1  }
0x91: {  	s18 =	sld [smem:$0x3FFB];
	_ =	sdelay $0x3  }
0x92: {  	_ =	strace s18  }
0x93: {  	s3 =	sld [smem:$0x3FFC];
	_ =	sdelay $0x3  }
0x94: {  	_ =	strace s3  }
0x95: {  	s3 =	sld [smem:$0x3FFD];
	_ =	sdelay $0x3  }
0x96: {  	_ =	strace s3  }
0x97: {  	_ =	strace $0x8FFFFFFF  }
0x98: {  	s19 =	sld [smem:$0x3FDB];
	_ =	sdelay $0x1  }
0x99: {  	s4 =	simm.s32 $_scs_section_size  }
0x9a: {  	s5 =	simm.s32 $_size__tile_overlayer_lowered;
	s6 =	simm.s32 $_tile_overlayer_lowered  }
0x9b: {  	s22 =	simm.s32 $0x1BFF;
	s21 =	sshll.u32 s6, $0x1;
	s3 =	sadd.s32 s4, s19  }
0x9c: {  	s7 =	simm.s32 $0x0;
	s20 =	sshll.u32 s5, $0x1;
	s5 =	sadd.s32 s21, s3  }
0x9d: {  	[timem:s7], [sflag:s22] =	dma.local [hbm:s5], s20  }
0x9e: {  	_ =	swait.ge [sflag:s22], s20  }
0x9f: {  	s4 =	ssub.s32 $0x0, s20;
	[sflag:s22] =	ssyncset.done $0x0  }
0xa0: {  	[sflag:s22] =	ssyncadd.s32 s4;
	_ =	sdelay $0x1  }
0xa1: {  	s23 =	simm.s32 $0x1B8B  }
0xa2: {  	_ =	swait.ge [sflag:s23], $0x1  }
0xa3: {  	[sflag:s23] =	ssyncset.done $0x0  }
0xa4: {  	s25 =	simm.s32 $0x1B8E;
	s24 =	sld [smem:$0x3FFE];
	[sflag:s23] =	ssyncadd.s32 $0xFFFFFFFF  }
0xa5: {  	s26 =	simm.s32 $execute0_lowered;
	[smem:$0x3FD2] =	sst s25  }
0xa6: {  	s5 =	sshll.u32 s26, $0x1;
	_ =	strace $0x80000049;
	[dreg:$0x1] =	wrdreg $0xFFFFFFFF  }
0xa7: {  	s28 =	simm.s32 $_size_execute0_lowered;
	s3 =	sadd.s32 s3, s5;
	[dreg:$0x0] =	wrdreg $0x0  }
0xa8: {  	s5 =	sshll.u32 s28, $0x1;
	[dreg:$0x2] =	wrdreg s3  }
0xa9: {  	[dreg:$0x3] =	wrdreg s5  }
0xaa: {  	[dreg:$0x4] =	wrdreg $0xC0  }
0xab: {  	_ =	task [dreg:s7], $0x5FFFF  }
0xac: {  	[dreg:$0x1] =	wrdreg $0xFFFFFFFF  }
0xad: {  	[dreg:$0x0] =	wrdreg $0x60  }
0xae: {  	[dreg:$0x2] =	wrdreg s2  }
0xaf: {  	[dreg:$0x3] =	wrdreg s24  }
0xb0: {  	[dreg:$0x4] =	wrdreg $0x48000  }
0xb1: {  	[dreg:$0x5] =	wrdreg $0x9  }
0xb2: {  	_ =	task.clear_ibuf [dreg:s7], $0x6FFFF;
	_ =	strace $0x90000049  }
0xb3: {  	s29 =	simm.s32 $0x9;
	_ =	strace $0x8000004B  }
0xb4: {  	_ =	swait.ge [sflag:s29], $0x1  }
0xb5: {  	[sflag:s29] =	ssyncadd.s32 $0xFFFFFFFF  }
0xb6: {  	_ =	strace $0x9000004B  }
0xb7: {  	_ =	sfence  }
0xb8: {  	s30 =	sld [smem:$0x0];
	_ =	sdelay $0x2  }
0xb9: {  	s31 =	sshll.u32 s1, $0xD;
	s1 =	sshrl.u32 s1, $0x2  }
0xba: {  	s3 =	sand.u32 $0x4000, s31;
	s1 =	sadd.s32 s1, s30  }
0xbb: {  	s0 =	sor.u32 s3, s0;
	s1 =	sshll.u32 s1, $0x11  }
0xbc: {  	s0 =	sor.u32 s1, s0  }
0xbd: {  	s0 =	sadd.s32 $0x8F2B, s0  }
0xbe: {  	[sflag:s0] =	ssyncadd.remote.s32 $0x1  }
0xbf: {  	_ =	sfence.sel $0xFFFF  }
0xc0: {  	[dreg:$0x0] =	wrdreg $0xFFFFFFFF;
	(pc) =	sbr.abs _section_cstart, $3  }
0xc1: {  	[dreg:$0x1] =	wrdreg $0xFFFFFFFF  }
0xc2: {  	_ =	task.clear_ibuf [dreg:s7], $0x2FFFF;
	_ =	strace $0x9FFFFFFF  }
0xc3: {  	(tm) =	ssettm $0x7FFFFFFF  }
tec
execute0_lowered:
.L_overlay_start_1:
0x0: {  	(tag) =	ssettag $0x1  }
0x1: {  	s0 =	rddreg [dreg:$0x0]  }
0x2: {  	s7 =	rddreg [dreg:$0x1]  }
0x3: {  	s1 =	srdreg.scid;
	s3 =	rddreg [dreg:$0x2]  }
0x4: {  	s2 =	stileid.u32;
	s4 =	simm.s32 $0x0;
	s18 =	simm.s32 $0x2000  }
0x5: {  	s19 =	simm.s32 $0x2;
	s20 =	simm.s32 $0x1000;
	s21 =	simm.s32 $0x50  }
0x6: {  	s8 =	sand.u32 $0x1, s1;
	s1 =	rddreg [dreg:$0x3];
	s6 =	smul.u32 $0x14000, s2  }
0x7: {  	s22 =	simm.s32 $0x1;
	[smem:$0x7FF] =	sst s4;
	s10 =	smul.u32 $0x50000, s2  }
0x8: {  	s11 =	sshll.u32 s2, $0x1;
	s5 =	smul.u32 $0x140000, s8;
	s30 =	ssub.s32 $0x2, s8  }
0x9: {  	_ =	strace $0x8000004A;
	s15 =	sor.u32 s8, s11;
	s31 =	sshrl.u32 s30, $0x1  }
0xa: {  	s10 =	sshrl.u32 s10, $0x2;
	s15 =	smul.u32 $0x5000, s15;
	s6 =	sadd.s32 s6, s5  }
0xb: {  	s5 =	sadd.s32 $0x66200, s7;
	s17 =	ssub.s32 s30, s31;
	s9 =	sshrl.u32 s6, $0x3  }
0xc: {  	s6 =	sadd.s32 $0x2200, s7;
	s16 =	sadd.s32 s9, s7;
	s7 =	sadd.s32 s10, s3  }
0xd: {  	s17 =	smax.u32 s17, $0x1;
	s8 =	sadd.s32 $0x2800, s7;
	s9 =	sadd.s32 $0x5000, s7  }
0xe: {  	s10 =	sadd.s32 $0x7800, s7;
	s11 =	sadd.s32 $0xA000, s7;
	s12 =	sadd.s32 $0xC800, s7  }
0xf: {  	v0 =	vimm.f32 $0.0e+00;
	s13 =	sadd.s32 $0xF000, s7;
	s14 =	sadd.s32 $0x11800, s7;
	s16 =	sadd.s32 $0x7A200, s16  }
.LBB2_1:
0x10: {  	s23 =	simm.s32 $0x0;
	s24 =	simm.s32 $0x200  }
.LBB2_2:
0x11: {  	p0 =	sne.s32 s24, $0x9E00;
	[tilespmem:s23+$0x2070] =	vst v0  }
0x12: {  	[tilespmem:s23+$0x2000] =	vst v0  }
0x13: {  	[tilespmem:s23+$0x2010] =	vst v0  }
.Ltmp0:
0x14: {  	[tilespmem:s23+$0x2020] =	vst v0;
	(pc) =	sbr.rel @p0 .LBB2_2-.Ltmp0, $4  }
0x15: {  	[tilespmem:s23+$0x2030] =	vst v0  }
0x16: {  	[tilespmem:s23+$0x2040] =	vst v0  }
0x17: {  	[tilespmem:s23+$0x2050] =	vst v0  }
0x18: {  	[tilespmem:s23+$0x2060] =	vst v0;
	s23 =	sshra.s32 s24, $0x2;
	s24 =	sadd.s32 $0x200, s24  }
0x19: {  	[tilespmem:s23+$0x2070] =	vst v0  }
0x1a: {  	[tilespmem:s23+$0x2000] =	vst v0  }
0x1b: {  	[tilespmem:s23+$0x2010] =	vst v0  }
0x1c: {  	[tilespmem:s23+$0x2020] =	vst v0  }
0x1d: {  	[tilespmem:s23+$0x2030] =	vst v0  }
0x1e: {  	[tilespmem:s23+$0x2040] =	vst v0  }
0x1f: {  	[tilespmem:s23+$0x2050] =	vst v0  }
0x20: {  	[tilespmem:s23+$0x2060] =	vst v0  }
0x21: {  	[spmem:s7] =	stream.linear.scatter [tilespmem:s18], [sflag:$0x2], $0x2800, $0x38;
	[tilespmem:$0x18800] =	vst v63  }
0x22: {  	_ =	swait.ge [sflag:s19], $0x2800  }
0x23: {  	[sflag:s19] =	ssyncset.done $0x0  }
0x24: {  	[sflag:s19] =	ssyncadd.s32 $0xFFFFD800  }
0x25: {  	[spmem:s8] =	stream.linear.scatter [tilespmem:s18], [sflag:$0x2], $0x2800, $0x38;
	[tilespmem:$0x18800] =	vst v63  }
0x26: {  	_ =	swait.ge [sflag:s19], $0x2800  }
0x27: {  	[sflag:s19] =	ssyncset.done $0x0  }
0x28: {  	[sflag:s19] =	ssyncadd.s32 $0xFFFFD800  }
0x29: {  	[spmem:s9] =	stream.linear.scatter [tilespmem:s18], [sflag:$0x2], $0x2800, $0x38;
	[tilespmem:$0x18800] =	vst v63  }
0x2a: {  	_ =	swait.ge [sflag:s19], $0x2800  }
0x2b: {  	[sflag:s19] =	ssyncset.done $0x0  }
0x2c: {  	[sflag:s19] =	ssyncadd.s32 $0xFFFFD800  }
0x2d: {  	[spmem:s10] =	stream.linear.scatter [tilespmem:s18], [sflag:$0x2], $0x2800, $0x38;
	[tilespmem:$0x18800] =	vst v63  }
0x2e: {  	_ =	swait.ge [sflag:s19], $0x2800  }
0x2f: {  	[sflag:s19] =	ssyncset.done $0x0  }
0x30: {  	[sflag:s19] =	ssyncadd.s32 $0xFFFFD800  }
0x31: {  	[spmem:s11] =	stream.linear.scatter [tilespmem:s18], [sflag:$0x2], $0x2800, $0x38;
	[tilespmem:$0x18800] =	vst v63  }
0x32: {  	_ =	swait.ge [sflag:s19], $0x2800  }
0x33: {  	[sflag:s19] =	ssyncset.done $0x0  }
0x34: {  	[sflag:s19] =	ssyncadd.s32 $0xFFFFD800  }
0x35: {  	[spmem:s12] =	stream.linear.scatter [tilespmem:s18], [sflag:$0x2], $0x2800, $0x38;
	[tilespmem:$0x18800] =	vst v63  }
0x36: {  	_ =	swait.ge [sflag:s19], $0x2800  }
0x37: {  	[sflag:s19] =	ssyncset.done $0x0  }
0x38: {  	[sflag:s19] =	ssyncadd.s32 $0xFFFFD800  }
0x39: {  	[spmem:s13] =	stream.linear.scatter [tilespmem:s18], [sflag:$0x2], $0x2800, $0x38;
	[tilespmem:$0x18800] =	vst v63  }
0x3a: {  	_ =	swait.ge [sflag:s19], $0x2800  }
0x3b: {  	[sflag:s19] =	ssyncset.done $0x0  }
0x3c: {  	[sflag:s19] =	ssyncadd.s32 $0xFFFFD800  }
0x3d: {  	[spmem:s14] =	stream.linear.scatter [tilespmem:s18], [sflag:$0x2], $0x2800, $0x38;
	[tilespmem:$0x18800] =	vst v63  }
0x3e: {  	_ =	swait.ge [sflag:s19], $0x2800  }
0x3f: {  	[sflag:s19] =	ssyncset.done $0x0  }
0x40: {  	[sflag:s19] =	ssyncadd.s32 $0xFFFFD800  }
0x41: {  	s23 =	simm.s32 $0x0;
	s24 =	simm.s32 $0x0;
	[bflag:$0x0] =	sbarrier.arrive $0xFFFF  }
.LBB2_4:
0x42: {  	s25 =	sshll.u32 s24, $0xC  }
0x43: {  	s25 =	sadd.s32 s15, s25  }
0x44: {  	s25 =	sshrl.u32 s25, $0x3  }
0x45: {  	s26 =	sadd.s32 s5, s25  }
0x46: {  	[tilespmem:s23], [sflag:$0x2] =	stream.linear.gather [hbm4b:s26+s23], $0xC80, $0x38;
	[tilespmem:$0x18800] =	vst v63  }
0x47: {  	_ =	swait.ge [sflag:s19], $0xC80  }
0x48: {  	[sflag:s19] =	ssyncset.done $0x0  }
0x49: {  	s25 =	sadd.s32 s6, s25;
	[sflag:s19] =	ssyncadd.s32 $0xFFFFF380  }
0x4a: {  	[tilespmem:s20], [sflag:$0x2] =	stream.linear.gather [hbm4b:s25+s23], $0xC80, $0x38;
	[tilespmem:$0x18800] =	vst v63  }
0x4b: {  	_ =	swait.ge [sflag:s19], $0xC80  }
0x4c: {  	[sflag:s19] =	ssyncset.done $0x0  }
0x4d: {  	s30 =	simm.s32 $0x0;
	[sflag:s19] =	ssyncadd.s32 $0xFFFFF380  }
0x4e: {  	[tilespmem:s18], [sflag:$0x1] =	stream.indirect.gather [hbm4b:s0+s21], $0x80, s30, s21, $0xb8;
	[tilespmem:$0x18800] =	vst v63  }
0x4f: {  	_ =	swait.ge [sflag:s22], $0x2800  }
0x50: {  	[sflag:s22] =	ssyncset.done $0x0  }
0x51: {  	s31 =	simm.s32 $0x1000;
	[sflag:s22] =	ssyncadd.s32 $0xFFFFD800  }
0x52: {  	[spmem:s3] =	stream.indirect.scatter.add.f32 [tilespmem:s18], [sflag:$0x2], $0x80, s31, s21, $0xb8;
	[tilespmem:$0x18800] =	vst v63  }
0x53: {  	_ =	swait.ge [sflag:s19], $0x2800  }
0x54: {  	s26 =	simm.s32 $0x400;
	s25 =	simm.s32 $0x200;
	[sflag:s19] =	ssyncset.done $0x0  }
.LBB2_5:
0x55: {  	s28 =	sshra.s32 s25, $0x2  }
0x56: {  	[sflag:s19] =	ssyncadd.s32 $0xFFFFD800;
	s25 =	smov.u32 s26;
	s29 =	sadd.s32 $0x200, s26  }
0x57: {  	[tilespmem:s18], [sflag:$0x1] =	stream.indirect.gather [hbm4b:s0+s21], $0x80, s28, s21, $0xb8;
	[tilespmem:$0x18800] =	vst v63  }
0x58: {  	p0 =	sne.s32 s26, $0x3000;
	_ =	swait.ge [sflag:s22], $0x2800  }
.Ltmp1:
0x59: {  	[sflag:s22] =	ssyncset.done $0x0;
	(pc) =	sbr.rel @p0 .LBB2_5-.Ltmp1, $4  }
0x5a: {  	s26 =	sadd.s32 $0x1000, s28;
	[sflag:s22] =	ssyncadd.s32 $0xFFFFD800  }
0x5b: {  	[spmem:s3] =	stream.indirect.scatter.add.f32 [tilespmem:s18], [sflag:$0x2], $0x80, s26, s21, $0xb8;
	[tilespmem:$0x18800] =	vst v63  }
0x5c: {  	_ =	swait.ge [sflag:s19], $0x2800  }
0x5d: {  	s26 =	smov.u32 s29;
	[sflag:s19] =	ssyncset.done $0x0  }
0x5e: {  	s25 =	sshra.s32 s25, $0x2;
	[sflag:s19] =	ssyncadd.s32 $0xFFFFD800  }
0x5f: {  	[tilespmem:s18], [sflag:$0x1] =	stream.indirect.gather [hbm4b:s0+s21], $0x80, s25, s21, $0xb8;
	[tilespmem:$0x18800] =	vst v63  }
0x60: {  	s24 =	sadd.s32 $0x1, s24;
	_ =	swait.ge [sflag:s22], $0x2800  }
0x61: {  	p0 =	sne.s32 s24, $0x5;
	[sflag:s22] =	ssyncset.done $0x0  }
.Ltmp2:
0x62: {  	s25 =	sadd.s32 $0x1000, s25;
	[sflag:s22] =	ssyncadd.s32 $0xFFFFD800;
	(pc) =	sbr.rel @p0 .LBB2_4-.Ltmp2, $4  }
0x63: {  	[spmem:s3] =	stream.indirect.scatter.add.f32 [tilespmem:s18], [sflag:$0x2], $0x80, s25, s21, $0xb8;
	[tilespmem:$0x18800] =	vst v63  }
0x64: {  	_ =	swait.ge [sflag:s19], $0x2800  }
0x65: {  	[sflag:s19] =	ssyncset.done $0x0  }
0x66: {  	[sflag:s19] =	ssyncadd.s32 $0xFFFFD800  }
0x67: {  	s4 =	sadd.s32 $0x1, s4  }
0x68: {  	s23 =	sshll.u32 s2, $0x6;
	[bflag:$0x0] =	sbarrier.arrive $0xFFFF;
	p0 =	sne.s32 s4, s17  }
.Ltmp3:
0x69: {  	s24 =	sshrl.u32 s7, $0x3;
	s23 =	sor.u32 $0x1C02, s23;
	(pc) =	sbr.rel @p0 .LBB2_1-.Ltmp3, $4  }
0x6a: {  	[hbm:s16], [sflag:s23] =	dma.local [spmem:s24], $0x2800  }
0x6b: {  	_ =	swait.ge [sflag:s19], $0x2800  }
0x6c: {  	[sflag:s19] =	ssyncset.done $0x0  }
0x6d: {  	[sflag:s19] =	ssyncadd.s32 $0xFFFFD800  }
0x6e: {  	_ =	sfence.sel $0x180000  }
0x6f: {  	[bflag:$0x0] =	sbarrier.arrive $0xFFFF  }
0x70: {  	p0 =	sne.s32 s2, $0x0;
	_ =	strace $0x9000004A  }
0x71: {  	s0 =	sadd.s32 @!p0 $0x100000, s1;
	[bflag:$0x2] =	sbarrier.arrive $0xFFFF  }
0x72: {  	[sflag:s0] =	ssyncadd.tile.s32 @!p0 $0x1;
	_ =	shalt  }
.Lfunc_end2:
_tile_overlayer_lowered:
.L_overlay_start_2:
0x73: {  	(tag) =	ssettag $0x2  }
0x74: {  	s0 =	rddreg [dreg:$0x0];
	s2 =	stileid.u32  }
0x75: {  	s1 =	rddreg [dreg:$0x1];
	p0 =	sne.s32 s2, $0x0  }
0x76: {  	s3 =	rddreg [dreg:$0x2];
	[bflag:$0x3] =	sbarrier.arrive $0xFFFF;
	s2 =	simm.s32 @!p0 $0x1C02  }
0x77: {  	[timem:s3], [sflag:s2] =	dma.local @!p0 [hbm:s0], s1  }
0x78: {  	s0 =	simm.s32 @!p0 $0x2  }
0x79: {  	_ =	swait.ge @!p0 [sflag:s0], s1  }
0x7a: {  	s1 =	ssub.s32 @!p0 $0x0, s1;
	[sflag:s0] =	ssyncset.done @!p0 $0x0  }
0x7b: {  	[sflag:s0] =	ssyncadd.s32 @!p0 s1  }
0x7c: {  	[bflag:$0x3] =	sbarrier.arrive $0xFFFF  }
0x7d: {  	_ =	shalt  }

// kernel: kernel.14.cloned.1.call-start
scs
__scs_entry_jumppad:
0x0: {  	(pc) =	sbr.rel $0x88, $3  }
0x1: {  	(tag) =	ssettag $0x0;
	lr =	simm.s32 $0x1  }
0x2: {  	[smem:$0x3F9B] =	sst lr;
	_ =	strace $0xD0000000  }
0x3: {  	_ = 	snop  }
0x4: {  	_ = 	snop  }
0x5: {  	_ = 	snop  }
0x6: {  	_ = 	snop  }
0x7: {  	_ = 	snop  }
__scs_overlays_trampoline_lowered:
0x8: {  	[smem:$0x3FAA] =	sst s0  }
0x9: {  	[smem:$0x3FAB] =	sst s1  }
0xa: {  	[smem:$0x3FAC] =	sst s2  }
0xb: {  	[smem:$0x3FAD] =	sst s3  }
0xc: {  	[smem:$0x3FAE] =	sst s4  }
0xd: {  	[smem:$0x3FAF] =	sst s5  }
0xe: {  	[smem:$0x3FB0] =	sst s6  }
0xf: {  	[smem:$0x3FB1] =	sst s7  }
0x10: {  	[smem:$0x3FB2] =	sst s8  }
0x11: {  	[smem:$0x3FB3] =	sst s9;
	s0 =	simm.s32 @!p0 $0x0  }
0x12: {  	s1 =	sld [smem:$0x3F99];
	s0 =	simm.s32 @p0 $0x1  }
0x13: {  	[smem:$0x3FB4] =	sst s0;
	s0 =	simm.s32 @!p1 $0x0  }
0x14: {  	s2 =	sld [smem:$0x3F98];
	s0 =	simm.s32 @p1 $0x1  }
0x15: {  	[smem:$0x3FB5] =	sst s0;
	s0 =	simm.s32 @!p2 $0x0  }
0x16: {  	s3 =	sld [smem:$0x3FDB];
	s0 =	simm.s32 @p2 $0x1  }
0x17: {  	s4 =	simm.s32 $0x1BF5;
	[smem:$0x3FB7] =	sst s0  }
0x18: {  	s0 =	sld [smem:$0x3F9A];
	_ =	swait.ge [sflag:s4], $0x0  }
0x19: {  	s7 =	sld [smem:$0x3F9B]  }
0x1a: {  	s8 =	sadd.s32 $0xFFFFE003, lr  }
0x1b: {  	s9 =	sadd.s32 $0xFFFFFEF7, lr;
	s5 =	simm.s32 $0xFFFFFFFF;
	p2 =	slt.u32 s8, $0xFFFFF086  }
0x1c: {  	p1 =	slt.u32 s9, $0xF7A;
	s5 =	simm.s32 @!p2 $0x0  }
0x1d: {  	s5 =	simm.s32 @p1 $0x1;
	p0 =	seq.s32 s7, s2  }
0x1e: {  	s7 =	smul.u32 @!p0 $0xF7A, s2;
	p2 =	seq.s32 @!p0 s5, $0x0  }
0x1f: {  	s9 =	smul.u32 $0xF7A, s1;
	s8 =	simm.s32 @!p0 $0x1BF5;
	p2 =	por !p2, p0  }
0x20: {  	[sflag:s8] =	ssyncset.s32 @!p0 $0xFFFFF086;
	s6 =	sadd.s32 @!p0 s3, s7;
	s7 =	simm.s32 @!p0 $0x108  }
0x21: {  	s3 =	sadd.s32 s3, s9;
	s6 =	sadd.s32 @!p0 $0x88, s6;
	s7 =	simm.s32 @p2 $0x1082  }
0x22: {  	[simem:s7], [sflag:s8] =	dma.local @!p0 [hbm:s6], $0xF7A  }
0x23: {  	s9 =	sor.u32 $0xD0000000, s2;
	s6 =	simm.s32 $0x108;
	_ =	swait.ge @!p0 [sflag:s8], $0x0  }
0x24: {  	s3 =	sadd.s32 $0x88, s3;
	s6 =	simm.s32 @!p1 $0x1082;
	[sflag:s4] =	ssyncset.s32 $0xFFFFF086  }
0x25: {  	[simem:s6], [sflag:s4] =	dma.local [hbm:s3], $0xF7A  }
0x26: {  	[smem:$0x3F9B] =	sst s1;
	(tag) =	ssettag s2;
	_ =	strace s9  }
0x27: {  	s1 =	sld [smem:$0x3FAB]  }
0x28: {  	s2 =	sld [smem:$0x3FAC]  }
0x29: {  	s4 =	sld [smem:$0x3FAE]  }
0x2a: {  	p0 =	seq.s32 s5, $0x0;
	s5 =	sld [smem:$0x3FAF]  }
0x2b: {  	s6 =	sld [smem:$0x3FB0]  }
0x2c: {  	s7 =	sld [smem:$0x3FB1]  }
0x2d: {  	s3 =	simm.s32 $0x108;
	s8 =	sld [smem:$0x3FB2]  }
0x2e: {  	s3 =	simm.s32 @!p0 $0x1082;
	s9 =	sld [smem:$0x3FB3]  }
0x2f: {  	lr =	sadd.s32 s0, s3;
	s0 =	sld [smem:$0x3FAA]  }
0x30: {  	s3 =	sld [smem:$0x3FAD]  }
0x31: {  	[smem:$0x3FB6] =	sst s10  }
0x32: {  	s10 =	sld [smem:$0x3FB4];
	_ =	sdelay $0x3  }
0x33: {  	p0 =	seq.s32 s10, $0x1;
	s10 =	sld [smem:$0x3FB6];
	_ =	sdelay $0x3  }
0x34: {  	[smem:$0x3FB6] =	sst s10  }
0x35: {  	s10 =	sld [smem:$0x3FB5];
	_ =	sdelay $0x3  }
0x36: {  	p1 =	seq.s32 s10, $0x1;
	s10 =	sld [smem:$0x3FB6];
	_ =	sdelay $0x3  }
0x37: {  	[smem:$0x3FB6] =	sst s10  }
0x38: {  	s10 =	sld [smem:$0x3FB7]  }
0x39: {  	_ = 	snop;
	(pc) =	sbr.ind lr, $3  }
0x3a: {  	_ = 	snop  }
0x3b: {  	_ = 	snop  }
0x3c: {  	p2 =	seq.s32 s10, $0x1;
	s10 =	sld [smem:$0x3FB6]  }
0x3d: {  	_ =	shalt  }
0x3e: {  	_ =	shalt  }
0x3f: {  	_ =	shalt  }
0x40: {  	_ =	shalt  }
0x41: {  	_ =	shalt  }
0x42: {  	_ =	shalt  }
0x43: {  	_ =	shalt  }
0x44: {  	_ =	shalt  }
0x45: {  	_ =	shalt  }
0x46: {  	_ =	shalt  }
0x47: {  	_ =	shalt  }
0x48: {  	_ =	shalt  }
0x49: {  	_ =	shalt  }
0x4a: {  	_ =	shalt  }
0x4b: {  	_ =	shalt  }
0x4c: {  	_ =	shalt  }
0x4d: {  	_ =	shalt  }
0x4e: {  	_ =	shalt  }
0x4f: {  	_ =	shalt  }
0x50: {  	_ =	shalt  }
0x51: {  	_ =	shalt  }
0x52: {  	_ =	shalt  }
0x53: {  	_ =	shalt  }
0x54: {  	_ =	shalt  }
0x55: {  	_ =	shalt  }
0x56: {  	_ =	shalt  }
0x57: {  	_ =	shalt  }
0x58: {  	_ =	shalt  }
0x59: {  	_ =	shalt  }
0x5a: {  	_ =	shalt  }
0x5b: {  	_ =	shalt  }
0x5c: {  	_ =	shalt  }
0x5d: {  	_ =	shalt  }
0x5e: {  	_ =	shalt  }
0x5f: {  	_ =	shalt  }
0x60: {  	_ =	shalt  }
0x61: {  	_ =	shalt  }
0x62: {  	_ =	shalt  }
0x63: {  	_ =	shalt  }
0x64: {  	_ =	shalt  }
0x65: {  	_ =	shalt  }
0x66: {  	_ =	shalt  }
0x67: {  	_ =	shalt  }
0x68: {  	_ =	shalt  }
0x69: {  	_ =	shalt  }
0x6a: {  	_ =	shalt  }
0x6b: {  	_ =	shalt  }
0x6c: {  	_ =	shalt  }
0x6d: {  	_ =	shalt  }
0x6e: {  	_ =	shalt  }
0x6f: {  	_ =	shalt  }
0x70: {  	_ =	shalt  }
0x71: {  	_ =	shalt  }
0x72: {  	_ =	shalt  }
0x73: {  	_ =	shalt  }
0x74: {  	_ =	shalt  }
0x75: {  	_ =	shalt  }
0x76: {  	_ =	shalt  }
0x77: {  	_ =	shalt  }
0x78: {  	_ =	shalt  }
0x79: {  	_ =	shalt  }
0x7a: {  	_ =	shalt  }
0x7b: {  	_ =	shalt  }
0x7c: {  	_ =	shalt  }
0x7d: {  	_ =	shalt  }
0x7e: {  	_ =	shalt  }
0x7f: {  	_ =	shalt  }
0x80: {  	_ =	shalt  }
0x81: {  	_ =	shalt  }
0x82: {  	_ =	shalt  }
0x83: {  	_ =	shalt  }
0x84: {  	_ =	shalt  }
0x85: {  	_ =	shalt  }
0x86: {  	_ =	shalt  }
0x87: {  	_ =	shalt  }
.Lfunc_end0:
.L_simem_size_0:
called_computation.2_lowered:
.L_overlay_start_0:
0x88: {  	s2 =	sld [smem:$0x3FD9]  }
0x89: {  	s3 =	sld [smem:$0x3FFE];
	_ =	sdelay $0x1  }
0x8a: {  	s1 =	srdreg.scid  }
0x8b: {  	s0 =	sand.u32 $0x1, s1  }
0x8c: {  	s17 =	sshll.u32 s0, $0xA;
	s2 =	sadd.s32 s3, s2  }
0x8d: {  	s2 =	sadd.s32 s2, s17  }
0x8e: {  	[smem:$0x3FC2] =	sst s2  }
0x8f: {  	_ = 	snop  }
0x90: {  	s2 =	sld [smem:$0x3FD0];
	(tm) =	ssettm $0x1  }
0x91: {  	s18 =	sld [smem:$0x3FFB];
	_ =	sdelay $0x3  }
0x92: {  	_ =	strace s18  }
0x93: {  	s3 =	sld [smem:$0x3FFC];
	_ =	sdelay $0x3  }
0x94: {  	_ =	strace s3  }
0x95: {  	s3 =	sld [smem:$0x3FFD];
	_ =	sdelay $0x3  }
0x96: {  	_ =	strace s3  }
0x97: {  	_ =	strace $0x8FFFFFFF  }
0x98: {  	s19 =	sld [smem:$0x3FDB];
	_ =	sdelay $0x1  }
0x99: {  	s4 =	simm.s32 $_scs_section_size  }
0x9a: {  	s5 =	simm.s32 $_size__tile_overlayer_lowered;
	s6 =	simm.s32 $_tile_overlayer_lowered  }
0x9b: {  	s22 =	simm.s32 $0x1BFF;
	s21 =	sshll.u32 s6, $0x1;
	s3 =	sadd.s32 s4, s19  }
0x9c: {  	s7 =	simm.s32 $0x0;
	s20 =	sshll.u32 s5, $0x1;
	s5 =	sadd.s32 s21, s3  }
0x9d: {  	[timem:s7], [sflag:s22] =	dma.local [hbm:s5], s20  }
0x9e: {  	_ =	swait.ge [sflag:s22], s20  }
0x9f: {  	s4 =	ssub.s32 $0x0, s20;
	[sflag:s22] =	ssyncset.done $0x0  }
0xa0: {  	[sflag:s22] =	ssyncadd.s32 s4;
	_ =	sdelay $0x1  }
0xa1: {  	s23 =	simm.s32 $0x1B8B  }
0xa2: {  	_ =	swait.ge [sflag:s23], $0x1  }
0xa3: {  	[sflag:s23] =	ssyncset.done $0x0  }
0xa4: {  	s25 =	simm.s32 $0x1B8E;
	s24 =	sld [smem:$0x3FFE];
	[sflag:s23] =	ssyncadd.s32 $0xFFFFFFFF  }
0xa5: {  	s26 =	simm.s32 $execute0_lowered;
	[smem:$0x3FD2] =	sst s25  }
0xa6: {  	s5 =	sshll.u32 s26, $0x1;
	_ =	strace $0x8000004C;
	[dreg:$0x1] =	wrdreg $0xFFFFFFFF  }
0xa7: {  	s28 =	simm.s32 $_size_execute0_lowered;
	s3 =	sadd.s32 s3, s5;
	[dreg:$0x0] =	wrdreg $0x0  }
0xa8: {  	s5 =	sshll.u32 s28, $0x1;
	[dreg:$0x2] =	wrdreg s3  }
0xa9: {  	[dreg:$0x3] =	wrdreg s5  }
0xaa: {  	[dreg:$0x4] =	wrdreg $0xC0  }
0xab: {  	_ =	task [dreg:s7], $0x5FFFF  }
0xac: {  	[dreg:$0x1] =	wrdreg $0xFFFFFFFF  }
0xad: {  	[dreg:$0x0] =	wrdreg $0x60  }
0xae: {  	[dreg:$0x2] =	wrdreg s2  }
0xaf: {  	[dreg:$0x3] =	wrdreg s24  }
0xb0: {  	[dreg:$0x4] =	wrdreg $0x48000  }
0xb1: {  	[dreg:$0x5] =	wrdreg $0x9  }
0xb2: {  	_ =	task.clear_ibuf [dreg:s7], $0x6FFFF;
	_ =	strace $0x9000004C  }
0xb3: {  	s29 =	simm.s32 $0x9;
	_ =	strace $0x8000004E  }
0xb4: {  	_ =	swait.ge [sflag:s29], $0x1  }
0xb5: {  	[sflag:s29] =	ssyncadd.s32 $0xFFFFFFFF  }
0xb6: {  	_ =	strace $0x9000004E  }
0xb7: {  	_ =	sfence  }
0xb8: {  	s30 =	sld [smem:$0x0];
	_ =	sdelay $0x2  }
0xb9: {  	s31 =	sshll.u32 s1, $0xD;
	s1 =	sshrl.u32 s1, $0x2  }
0xba: {  	s3 =	sand.u32 $0x4000, s31;
	s1 =	sadd.s32 s1, s30  }
0xbb: {  	s0 =	sor.u32 s3, s0;
	s1 =	sshll.u32 s1, $0x11  }
0xbc: {  	s0 =	sor.u32 s1, s0  }
0xbd: {  	s0 =	sadd.s32 $0x8F2B, s0  }
0xbe: {  	[sflag:s0] =	ssyncadd.remote.s32 $0x1  }
0xbf: {  	_ =	sfence.sel $0xFFFF  }
0xc0: {  	[dreg:$0x0] =	wrdreg $0xFFFFFFFF;
	(pc) =	sbr.abs _section_cstart, $3  }
0xc1: {  	[dreg:$0x1] =	wrdreg $0xFFFFFFFF  }
0xc2: {  	_ =	task.clear_ibuf [dreg:s7], $0x2FFFF;
	_ =	strace $0x9FFFFFFF  }
0xc3: {  	(tm) =	ssettm $0x7FFFFFFF  }
tec
execute0_lowered:
.L_overlay_start_1:
0x0: {  	(tag) =	ssettag $0x1  }
0x1: {  	s0 =	rddreg [dreg:$0x0]  }
0x2: {  	s7 =	rddreg [dreg:$0x1]  }
0x3: {  	s1 =	srdreg.scid;
	s3 =	rddreg [dreg:$0x2]  }
0x4: {  	s2 =	stileid.u32;
	s4 =	simm.s32 $0x0;
	s18 =	simm.s32 $0x2000  }
0x5: {  	s19 =	simm.s32 $0x2;
	s20 =	simm.s32 $0x1000;
	s21 =	simm.s32 $0x50  }
0x6: {  	s8 =	sand.u32 $0x1, s1;
	s1 =	rddreg [dreg:$0x3];
	s6 =	smul.u32 $0x14000, s2  }
0x7: {  	s22 =	simm.s32 $0x1;
	[smem:$0x7FF] =	sst s4;
	s10 =	smul.u32 $0x50000, s2  }
0x8: {  	s11 =	sshll.u32 s2, $0x1;
	s5 =	smul.u32 $0x140000, s8;
	s30 =	ssub.s32 $0x2, s8  }
0x9: {  	_ =	strace $0x8000004D;
	s15 =	sor.u32 s8, s11;
	s31 =	sshrl.u32 s30, $0x1  }
0xa: {  	s10 =	sshrl.u32 s10, $0x2;
	s15 =	smul.u32 $0x5000, s15;
	s6 =	sadd.s32 s6, s5  }
0xb: {  	s5 =	sadd.s32 $0x66200, s7;
	s17 =	ssub.s32 s30, s31;
	s9 =	sshrl.u32 s6, $0x3  }
0xc: {  	s6 =	sadd.s32 $0x2200, s7;
	s16 =	sadd.s32 s9, s7;
	s7 =	sadd.s32 s10, s3  }
0xd: {  	s17 =	smax.u32 s17, $0x1;
	s8 =	sadd.s32 $0x2800, s7;
	s9 =	sadd.s32 $0x5000, s7  }
0xe: {  	s10 =	sadd.s32 $0x7800, s7;
	s11 =	sadd.s32 $0xA000, s7;
	s12 =	sadd.s32 $0xC800, s7  }
0xf: {  	v0 =	vimm.f32 $0.0e+00;
	s13 =	sadd.s32 $0xF000, s7;
	s14 =	sadd.s32 $0x11800, s7;
	s16 =	sadd.s32 $0x7A200, s16  }
.LBB2_1:
0x10: {  	s23 =	simm.s32 $0x0;
	s24 =	simm.s32 $0x200  }
.LBB2_2:
0x11: {  	p0 =	sne.s32 s24, $0x9E00;
	[tilespmem:s23+$0x2070] =	vst v0  }
0x12: {  	[tilespmem:s23+$0x2000] =	vst v0  }
0x13: {  	[tilespmem:s23+$0x2010] =	vst v0  }
.Ltmp0:
0x14: {  	[tilespmem:s23+$0x2020] =	vst v0;
	(pc) =	sbr.rel @p0 .LBB2_2-.Ltmp0, $4  }
0x15: {  	[tilespmem:s23+$0x2030] =	vst v0  }
0x16: {  	[tilespmem:s23+$0x2040] =	vst v0  }
0x17: {  	[tilespmem:s23+$0x2050] =	vst v0  }
0x18: {  	[tilespmem:s23+$0x2060] =	vst v0;
	s23 =	sshra.s32 s24, $0x2;
	s24 =	sadd.s32 $0x200, s24  }
0x19: {  	[tilespmem:s23+$0x2070] =	vst v0  }
0x1a: {  	[tilespmem:s23+$0x2000] =	vst v0  }
0x1b: {  	[tilespmem:s23+$0x2010] =	vst v0  }
0x1c: {  	[tilespmem:s23+$0x2020] =	vst v0  }
0x1d: {  	[tilespmem:s23+$0x2030] =	vst v0  }
0x1e: {  	[tilespmem:s23+$0x2040] =	vst v0  }
0x1f: {  	[tilespmem:s23+$0x2050] =	vst v0  }
0x20: {  	[tilespmem:s23+$0x2060] =	vst v0  }
0x21: {  	[spmem:s7] =	stream.linear.scatter [tilespmem:s18], [sflag:$0x2], $0x2800, $0x38;
	[tilespmem:$0x18800] =	vst v63  }
0x22: {  	_ =	swait.ge [sflag:s19], $0x2800  }
0x23: {  	[sflag:s19] =	ssyncset.done $0x0  }
0x24: {  	[sflag:s19] =	ssyncadd.s32 $0xFFFFD800  }
0x25: {  	[spmem:s8] =	stream.linear.scatter [tilespmem:s18], [sflag:$0x2], $0x2800, $0x38;
	[tilespmem:$0x18800] =	vst v63  }
0x26: {  	_ =	swait.ge [sflag:s19], $0x2800  }
0x27: {  	[sflag:s19] =	ssyncset.done $0x0  }
0x28: {  	[sflag:s19] =	ssyncadd.s32 $0xFFFFD800  }
0x29: {  	[spmem:s9] =	stream.linear.scatter [tilespmem:s18], [sflag:$0x2], $0x2800, $0x38;
	[tilespmem:$0x18800] =	vst v63  }
0x2a: {  	_ =	swait.ge [sflag:s19], $0x2800  }
0x2b: {  	[sflag:s19] =	ssyncset.done $0x0  }
0x2c: {  	[sflag:s19] =	ssyncadd.s32 $0xFFFFD800  }
0x2d: {  	[spmem:s10] =	stream.linear.scatter [tilespmem:s18], [sflag:$0x2], $0x2800, $0x38;
	[tilespmem:$0x18800] =	vst v63  }
0x2e: {  	_ =	swait.ge [sflag:s19], $0x2800  }
0x2f: {  	[sflag:s19] =	ssyncset.done $0x0  }
0x30: {  	[sflag:s19] =	ssyncadd.s32 $0xFFFFD800  }
0x31: {  	[spmem:s11] =	stream.linear.scatter [tilespmem:s18], [sflag:$0x2], $0x2800, $0x38;
	[tilespmem:$0x18800] =	vst v63  }
0x32: {  	_ =	swait.ge [sflag:s19], $0x2800  }
0x33: {  	[sflag:s19] =	ssyncset.done $0x0  }
0x34: {  	[sflag:s19] =	ssyncadd.s32 $0xFFFFD800  }
0x35: {  	[spmem:s12] =	stream.linear.scatter [tilespmem:s18], [sflag:$0x2], $0x2800, $0x38;
	[tilespmem:$0x18800] =	vst v63  }
0x36: {  	_ =	swait.ge [sflag:s19], $0x2800  }
0x37: {  	[sflag:s19] =	ssyncset.done $0x0  }
0x38: {  	[sflag:s19] =	ssyncadd.s32 $0xFFFFD800  }
0x39: {  	[spmem:s13] =	stream.linear.scatter [tilespmem:s18], [sflag:$0x2], $0x2800, $0x38;
	[tilespmem:$0x18800] =	vst v63  }
0x3a: {  	_ =	swait.ge [sflag:s19], $0x2800  }
0x3b: {  	[sflag:s19] =	ssyncset.done $0x0  }
0x3c: {  	[sflag:s19] =	ssyncadd.s32 $0xFFFFD800  }
0x3d: {  	[spmem:s14] =	stream.linear.scatter [tilespmem:s18], [sflag:$0x2], $0x2800, $0x38;
	[tilespmem:$0x18800] =	vst v63  }
0x3e: {  	_ =	swait.ge [sflag:s19], $0x2800  }
0x3f: {  	[sflag:s19] =	ssyncset.done $0x0  }
0x40: {  	[sflag:s19] =	ssyncadd.s32 $0xFFFFD800  }
0x41: {  	s23 =	simm.s32 $0x0;
	s24 =	simm.s32 $0x0;
	[bflag:$0x0] =	sbarrier.arrive $0xFFFF  }
.LBB2_4:
0x42: {  	s25 =	sshll.u32 s24, $0xC  }
0x43: {  	s25 =	sadd.s32 s15, s25  }
0x44: {  	s25 =	sshrl.u32 s25, $0x3  }
0x45: {  	s26 =	sadd.s32 s5, s25  }
0x46: {  	[tilespmem:s23], [sflag:$0x2] =	stream.linear.gather [hbm4b:s26+s23], $0xC80, $0x38;
	[tilespmem:$0x18800] =	vst v63  }
0x47: {  	_ =	swait.ge [sflag:s19], $0xC80  }
0x48: {  	[sflag:s19] =	ssyncset.done $0x0  }
0x49: {  	s25 =	sadd.s32 s6, s25;
	[sflag:s19] =	ssyncadd.s32 $0xFFFFF380  }
0x4a: {  	[tilespmem:s20], [sflag:$0x2] =	stream.linear.gather [hbm4b:s25+s23], $0xC80, $0x38;
	[tilespmem:$0x18800] =	vst v63  }
0x4b: {  	_ =	swait.ge [sflag:s19], $0xC80  }
0x4c: {  	[sflag:s19] =	ssyncset.done $0x0  }
0x4d: {  	s30 =	simm.s32 $0x0;
	[sflag:s19] =	ssyncadd.s32 $0xFFFFF380  }
0x4e: {  	[tilespmem:s18], [sflag:$0x1] =	stream.indirect.gather [hbm4b:s0+s21], $0x80, s30, s21, $0xb8;
	[tilespmem:$0x18800] =	vst v63  }
0x4f: {  	_ =	swait.ge [sflag:s22], $0x2800  }
0x50: {  	[sflag:s22] =	ssyncset.done $0x0  }
0x51: {  	s31 =	simm.s32 $0x1000;
	[sflag:s22] =	ssyncadd.s32 $0xFFFFD800  }
0x52: {  	[spmem:s3] =	stream.indirect.scatter.add.f32 [tilespmem:s18], [sflag:$0x2], $0x80, s31, s21, $0xb8;
	[tilespmem:$0x18800] =	vst v63  }
0x53: {  	_ =	swait.ge [sflag:s19], $0x2800  }
0x54: {  	s26 =	simm.s32 $0x400;
	s25 =	simm.s32 $0x200;
	[sflag:s19] =	ssyncset.done $0x0  }
.LBB2_5:
0x55: {  	s28 =	sshra.s32 s25, $0x2  }
0x56: {  	[sflag:s19] =	ssyncadd.s32 $0xFFFFD800;
	s25 =	smov.u32 s26;
	s29 =	sadd.s32 $0x200, s26  }
0x57: {  	[tilespmem:s18], [sflag:$0x1] =	stream.indirect.gather [hbm4b:s0+s21], $0x80, s28, s21, $0xb8;
	[tilespmem:$0x18800] =	vst v63  }
0x58: {  	p0 =	sne.s32 s26, $0x3000;
	_ =	swait.ge [sflag:s22], $0x2800  }
.Ltmp1:
0x59: {  	[sflag:s22] =	ssyncset.done $0x0;
	(pc) =	sbr.rel @p0 .LBB2_5-.Ltmp1, $4  }
0x5a: {  	s26 =	sadd.s32 $0x1000, s28;
	[sflag:s22] =	ssyncadd.s32 $0xFFFFD800  }
0x5b: {  	[spmem:s3] =	stream.indirect.scatter.add.f32 [tilespmem:s18], [sflag:$0x2], $0x80, s26, s21, $0xb8;
	[tilespmem:$0x18800] =	vst v63  }
0x5c: {  	_ =	swait.ge [sflag:s19], $0x2800  }
0x5d: {  	s26 =	smov.u32 s29;
	[sflag:s19] =	ssyncset.done $0x0  }
0x5e: {  	s25 =	sshra.s32 s25, $0x2;
	[sflag:s19] =	ssyncadd.s32 $0xFFFFD800  }
0x5f: {  	[tilespmem:s18], [sflag:$0x1] =	stream.indirect.gather [hbm4b:s0+s21], $0x80, s25, s21, $0xb8;
	[tilespmem:$0x18800] =	vst v63  }
0x60: {  	s24 =	sadd.s32 $0x1, s24;
	_ =	swait.ge [sflag:s22], $0x2800  }
0x61: {  	p0 =	sne.s32 s24, $0x5;
	[sflag:s22] =	ssyncset.done $0x0  }
.Ltmp2:
0x62: {  	s25 =	sadd.s32 $0x1000, s25;
	[sflag:s22] =	ssyncadd.s32 $0xFFFFD800;
	(pc) =	sbr.rel @p0 .LBB2_4-.Ltmp2, $4  }
0x63: {  	[spmem:s3] =	stream.indirect.scatter.add.f32 [tilespmem:s18], [sflag:$0x2], $0x80, s25, s21, $0xb8;
	[tilespmem:$0x18800] =	vst v63  }
0x64: {  	_ =	swait.ge [sflag:s19], $0x2800  }
0x65: {  	[sflag:s19] =	ssyncset.done $0x0  }
0x66: {  	[sflag:s19] =	ssyncadd.s32 $0xFFFFD800  }
0x67: {  	s4 =	sadd.s32 $0x1, s4  }
0x68: {  	s23 =	sshll.u32 s2, $0x6;
	[bflag:$0x0] =	sbarrier.arrive $0xFFFF;
	p0 =	sne.s32 s4, s17  }
.Ltmp3:
0x69: {  	s24 =	sshrl.u32 s7, $0x3;
	s23 =	sor.u32 $0x1C02, s23;
	(pc) =	sbr.rel @p0 .LBB2_1-.Ltmp3, $4  }
0x6a: {  	[hbm:s16], [sflag:s23] =	dma.local [spmem:s24], $0x2800  }
0x6b: {  	_ =	swait.ge [sflag:s19], $0x2800  }
0x6c: {  	[sflag:s19] =	ssyncset.done $0x0  }
0x6d: {  	[sflag:s19] =	ssyncadd.s32 $0xFFFFD800  }
0x6e: {  	_ =	sfence.sel $0x180000  }
0x6f: {  	[bflag:$0x0] =	sbarrier.arrive $0xFFFF  }
0x70: {  	p0 =	sne.s32 s2, $0x0;
	_ =	strace $0x9000004D  }
0x71: {  	s0 =	sadd.s32 @!p0 $0x100000, s1;
	[bflag:$0x2] =	sbarrier.arrive $0xFFFF  }
0x72: {  	[sflag:s0] =	ssyncadd.tile.s32 @!p0 $0x1;
	_ =	shalt  }
.Lfunc_end2:
_tile_overlayer_lowered:
.L_overlay_start_2:
0x73: {  	(tag) =	ssettag $0x2  }
0x74: {  	s0 =	rddreg [dreg:$0x0];
	s2 =	stileid.u32  }
0x75: {  	s1 =	rddreg [dreg:$0x1];
	p0 =	sne.s32 s2, $0x0  }
0x76: {  	s3 =	rddreg [dreg:$0x2];
	[bflag:$0x3] =	sbarrier.arrive $0xFFFF;
	s2 =	simm.s32 @!p0 $0x1C02  }
0x77: {  	[timem:s3], [sflag:s2] =	dma.local @!p0 [hbm:s0], s1  }
0x78: {  	s0 =	simm.s32 @!p0 $0x2  }
0x79: {  	_ =	swait.ge @!p0 [sflag:s0], s1  }
0x7a: {  	s1 =	ssub.s32 @!p0 $0x0, s1;
	[sflag:s0] =	ssyncset.done @!p0 $0x0  }
0x7b: {  	[sflag:s0] =	ssyncadd.s32 @!p0 s1  }
0x7c: {  	[bflag:$0x3] =	sbarrier.arrive $0xFFFF  }
0x7d: {  	_ =	shalt  }

// kernel: kernel.8.cloned.1.call-start
scs
__scs_entry_jumppad:
0x0: {  	(pc) =	sbr.rel $0x88, $3  }
0x1: {  	(tag) =	ssettag $0x0;
	lr =	simm.s32 $0x1  }
0x2: {  	[smem:$0x3F9B] =	sst lr;
	_ =	strace $0xD0000000  }
0x3: {  	_ = 	snop  }
0x4: {  	_ = 	snop  }
0x5: {  	_ = 	snop  }
0x6: {  	_ = 	snop  }
0x7: {  	_ = 	snop  }
__scs_overlays_trampoline_lowered:
0x8: {  	[smem:$0x3FAA] =	sst s0  }
0x9: {  	[smem:$0x3FAB] =	sst s1  }
0xa: {  	[smem:$0x3FAC] =	sst s2  }
0xb: {  	[smem:$0x3FAD] =	sst s3  }
0xc: {  	[smem:$0x3FAE] =	sst s4  }
0xd: {  	[smem:$0x3FAF] =	sst s5  }
0xe: {  	[smem:$0x3FB0] =	sst s6  }
0xf: {  	[smem:$0x3FB1] =	sst s7  }
0x10: {  	[smem:$0x3FB2] =	sst s8  }
0x11: {  	[smem:$0x3FB3] =	sst s9;
	s0 =	simm.s32 @!p0 $0x0  }
0x12: {  	s1 =	sld [smem:$0x3F99];
	s0 =	simm.s32 @p0 $0x1  }
0x13: {  	[smem:$0x3FB4] =	sst s0;
	s0 =	simm.s32 @!p1 $0x0  }
0x14: {  	s2 =	sld [smem:$0x3F98];
	s0 =	simm.s32 @p1 $0x1  }
0x15: {  	[smem:$0x3FB5] =	sst s0;
	s0 =	simm.s32 @!p2 $0x0  }
0x16: {  	s3 =	sld [smem:$0x3FDB];
	s0 =	simm.s32 @p2 $0x1  }
0x17: {  	s4 =	simm.s32 $0x1BF5;
	[smem:$0x3FB7] =	sst s0  }
0x18: {  	s0 =	sld [smem:$0x3F9A];
	_ =	swait.ge [sflag:s4], $0x0  }
0x19: {  	s7 =	sld [smem:$0x3F9B]  }
0x1a: {  	s8 =	sadd.s32 $0xFFFFE003, lr  }
0x1b: {  	s9 =	sadd.s32 $0xFFFFFEF7, lr;
	s5 =	simm.s32 $0xFFFFFFFF;
	p2 =	slt.u32 s8, $0xFFFFF086  }
0x1c: {  	p1 =	slt.u32 s9, $0xF7A;
	s5 =	simm.s32 @!p2 $0x0  }
0x1d: {  	s5 =	simm.s32 @p1 $0x1;
	p0 =	seq.s32 s7, s2  }
0x1e: {  	s7 =	smul.u32 @!p0 $0xF7A, s2;
	p2 =	seq.s32 @!p0 s5, $0x0  }
0x1f: {  	s9 =	smul.u32 $0xF7A, s1;
	s8 =	simm.s32 @!p0 $0x1BF5;
	p2 =	por !p2, p0  }
0x20: {  	[sflag:s8] =	ssyncset.s32 @!p0 $0xFFFFF086;
	s6 =	sadd.s32 @!p0 s3, s7;
	s7 =	simm.s32 @!p0 $0x108  }
0x21: {  	s3 =	sadd.s32 s3, s9;
	s6 =	sadd.s32 @!p0 $0x88, s6;
	s7 =	simm.s32 @p2 $0x1082  }
0x22: {  	[simem:s7], [sflag:s8] =	dma.local @!p0 [hbm:s6], $0xF7A  }
0x23: {  	s9 =	sor.u32 $0xD0000000, s2;
	s6 =	simm.s32 $0x108;
	_ =	swait.ge @!p0 [sflag:s8], $0x0  }
0x24: {  	s3 =	sadd.s32 $0x88, s3;
	s6 =	simm.s32 @!p1 $0x1082;
	[sflag:s4] =	ssyncset.s32 $0xFFFFF086  }
0x25: {  	[simem:s6], [sflag:s4] =	dma.local [hbm:s3], $0xF7A  }
0x26: {  	[smem:$0x3F9B] =	sst s1;
	(tag) =	ssettag s2;
	_ =	strace s9  }
0x27: {  	s1 =	sld [smem:$0x3FAB]  }
0x28: {  	s2 =	sld [smem:$0x3FAC]  }
0x29: {  	s4 =	sld [smem:$0x3FAE]  }
0x2a: {  	p0 =	seq.s32 s5, $0x0;
	s5 =	sld [smem:$0x3FAF]  }
0x2b: {  	s6 =	sld [smem:$0x3FB0]  }
0x2c: {  	s7 =	sld [smem:$0x3FB1]  }
0x2d: {  	s3 =	simm.s32 $0x108;
	s8 =	sld [smem:$0x3FB2]  }
0x2e: {  	s3 =	simm.s32 @!p0 $0x1082;
	s9 =	sld [smem:$0x3FB3]  }
0x2f: {  	lr =	sadd.s32 s0, s3;
	s0 =	sld [smem:$0x3FAA]  }
0x30: {  	s3 =	sld [smem:$0x3FAD]  }
0x31: {  	[smem:$0x3FB6] =	sst s10  }
0x32: {  	s10 =	sld [smem:$0x3FB4];
	_ =	sdelay $0x3  }
0x33: {  	p0 =	seq.s32 s10, $0x1;
	s10 =	sld [smem:$0x3FB6];
	_ =	sdelay $0x3  }
0x34: {  	[smem:$0x3FB6] =	sst s10  }
0x35: {  	s10 =	sld [smem:$0x3FB5];
	_ =	sdelay $0x3  }
0x36: {  	p1 =	seq.s32 s10, $0x1;
	s10 =	sld [smem:$0x3FB6];
	_ =	sdelay $0x3  }
0x37: {  	[smem:$0x3FB6] =	sst s10  }
0x38: {  	s10 =	sld [smem:$0x3FB7]  }
0x39: {  	_ = 	snop;
	(pc) =	sbr.ind lr, $3  }
0x3a: {  	_ = 	snop  }
0x3b: {  	_ = 	snop  }
0x3c: {  	p2 =	seq.s32 s10, $0x1;
	s10 =	sld [smem:$0x3FB6]  }
0x3d: {  	_ =	shalt  }
0x3e: {  	_ =	shalt  }
0x3f: {  	_ =	shalt  }
0x40: {  	_ =	shalt  }
0x41: {  	_ =	shalt  }
0x42: {  	_ =	shalt  }
0x43: {  	_ =	shalt  }
0x44: {  	_ =	shalt  }
0x45: {  	_ =	shalt  }
0x46: {  	_ =	shalt  }
0x47: {  	_ =	shalt  }
0x48: {  	_ =	shalt  }
0x49: {  	_ =	shalt  }
0x4a: {  	_ =	shalt  }
0x4b: {  	_ =	shalt  }
0x4c: {  	_ =	shalt  }
0x4d: {  	_ =	shalt  }
0x4e: {  	_ =	shalt  }
0x4f: {  	_ =	shalt  }
0x50: {  	_ =	shalt  }
0x51: {  	_ =	shalt  }
0x52: {  	_ =	shalt  }
0x53: {  	_ =	shalt  }
0x54: {  	_ =	shalt  }
0x55: {  	_ =	shalt  }
0x56: {  	_ =	shalt  }
0x57: {  	_ =	shalt  }
0x58: {  	_ =	shalt  }
0x59: {  	_ =	shalt  }
0x5a: {  	_ =	shalt  }
0x5b: {  	_ =	shalt  }
0x5c: {  	_ =	shalt  }
0x5d: {  	_ =	shalt  }
0x5e: {  	_ =	shalt  }
0x5f: {  	_ =	shalt  }
0x60: {  	_ =	shalt  }
0x61: {  	_ =	shalt  }
0x62: {  	_ =	shalt  }
0x63: {  	_ =	shalt  }
0x64: {  	_ =	shalt  }
0x65: {  	_ =	shalt  }
0x66: {  	_ =	shalt  }
0x67: {  	_ =	shalt  }
0x68: {  	_ =	shalt  }
0x69: {  	_ =	shalt  }
0x6a: {  	_ =	shalt  }
0x6b: {  	_ =	shalt  }
0x6c: {  	_ =	shalt  }
0x6d: {  	_ =	shalt  }
0x6e: {  	_ =	shalt  }
0x6f: {  	_ =	shalt  }
0x70: {  	_ =	shalt  }
0x71: {  	_ =	shalt  }
0x72: {  	_ =	shalt  }
0x73: {  	_ =	shalt  }
0x74: {  	_ =	shalt  }
0x75: {  	_ =	shalt  }
0x76: {  	_ =	shalt  }
0x77: {  	_ =	shalt  }
0x78: {  	_ =	shalt  }
0x79: {  	_ =	shalt  }
0x7a: {  	_ =	shalt  }
0x7b: {  	_ =	shalt  }
0x7c: {  	_ =	shalt  }
0x7d: {  	_ =	shalt  }
0x7e: {  	_ =	shalt  }
0x7f: {  	_ =	shalt  }
0x80: {  	_ =	shalt  }
0x81: {  	_ =	shalt  }
0x82: {  	_ =	shalt  }
0x83: {  	_ =	shalt  }
0x84: {  	_ =	shalt  }
0x85: {  	_ =	shalt  }
0x86: {  	_ =	shalt  }
0x87: {  	_ =	shalt  }
.Lfunc_end0:
.L_simem_size_0:
called_computation_lowered:
.L_overlay_start_0:
0x88: {  	s2 =	sld [smem:$0x3FD9]  }
0x89: {  	s3 =	sld [smem:$0x3FFE];
	_ =	sdelay $0x1  }
0x8a: {  	s1 =	srdreg.scid  }
0x8b: {  	s0 =	sand.u32 $0x1, s1  }
0x8c: {  	s16 =	sshll.u32 s0, $0xA;
	s2 =	sadd.s32 s3, s2  }
0x8d: {  	s2 =	sadd.s32 s2, s16  }
0x8e: {  	[smem:$0x3FC2] =	sst s2  }
0x8f: {  	_ = 	snop  }
0x90: {  	(tm) =	ssettm $0x1  }
0x91: {  	s17 =	sld [smem:$0x3FFB];
	_ =	sdelay $0x3  }
0x92: {  	_ =	strace s17  }
0x93: {  	s2 =	sld [smem:$0x3FFC];
	_ =	sdelay $0x3  }
0x94: {  	_ =	strace s2  }
0x95: {  	s2 =	sld [smem:$0x3FFD];
	_ =	sdelay $0x3  }
0x96: {  	_ =	strace s2  }
0x97: {  	_ =	strace $0x8FFFFFFF  }
0x98: {  	s18 =	sld [smem:$0x3FDB];
	_ =	sdelay $0x1  }
0x99: {  	s19 =	simm.s32 $_scs_section_size  }
0x9a: {  	s4 =	simm.s32 $_size__tile_overlayer_lowered;
	s5 =	simm.s32 $_tile_overlayer_lowered  }
0x9b: {  	s22 =	simm.s32 $0x1BFF;
	s21 =	sshll.u32 s5, $0x1;
	s2 =	sadd.s32 s19, s18  }
0x9c: {  	s6 =	simm.s32 $0x0;
	s20 =	sshll.u32 s4, $0x1;
	s4 =	sadd.s32 s21, s2  }
0x9d: {  	[timem:s6], [sflag:s22] =	dma.local [hbm:s4], s20  }
0x9e: {  	_ =	swait.ge [sflag:s22], s20  }
0x9f: {  	s3 =	ssub.s32 $0x0, s20;
	[sflag:s22] =	ssyncset.done $0x0  }
0xa0: {  	[sflag:s22] =	ssyncadd.s32 s3;
	_ =	sdelay $0x1  }
0xa1: {  	s23 =	simm.s32 $0x1B8B  }
0xa2: {  	_ =	swait.ge [sflag:s23], $0x1  }
0xa3: {  	[sflag:s23] =	ssyncset.done $0x0  }
0xa4: {  	s25 =	simm.s32 $0x1B8E;
	s24 =	sld [smem:$0x3FFE];
	[sflag:s23] =	ssyncadd.s32 $0xFFFFFFFF  }
0xa5: {  	s26 =	simm.s32 $execute0_lowered;
	[smem:$0x3FD2] =	sst s25  }
0xa6: {  	s4 =	sshll.u32 s26, $0x1;
	_ =	strace $0x80000046;
	[dreg:$0x1] =	wrdreg $0xFFFFFFFF  }
0xa7: {  	s28 =	simm.s32 $_size_execute0_lowered;
	s2 =	sadd.s32 s2, s4;
	[dreg:$0x0] =	wrdreg $0x0  }
0xa8: {  	s4 =	sshll.u32 s28, $0x1;
	[dreg:$0x2] =	wrdreg s2  }
0xa9: {  	[dreg:$0x3] =	wrdreg s4  }
0xaa: {  	[dreg:$0x4] =	wrdreg $0xC0  }
0xab: {  	_ =	task [dreg:s6], $0x5FFFF  }
0xac: {  	[dreg:$0x1] =	wrdreg $0xFFFFFFFF  }
0xad: {  	[dreg:$0x0] =	wrdreg $0x60  }
0xae: {  	[dreg:$0x2] =	wrdreg s24  }
0xaf: {  	[dreg:$0x3] =	wrdreg $0x38000  }
0xb0: {  	[dreg:$0x4] =	wrdreg $0x9  }
0xb1: {  	_ =	task.clear_ibuf [dreg:s6], $0x5FFFF;
	_ =	strace $0x90000046  }
0xb2: {  	s29 =	simm.s32 $0x9;
	_ =	strace $0x80000048  }
0xb3: {  	_ =	swait.ge [sflag:s29], $0x1  }
0xb4: {  	[sflag:s29] =	ssyncadd.s32 $0xFFFFFFFF  }
0xb5: {  	_ =	strace $0x90000048  }
0xb6: {  	_ =	sfence  }
0xb7: {  	s30 =	sld [smem:$0x0];
	_ =	sdelay $0x2  }
0xb8: {  	s31 =	sshll.u32 s1, $0xD;
	s1 =	sshrl.u32 s1, $0x2  }
0xb9: {  	s3 =	sand.u32 $0x4000, s31;
	s1 =	sadd.s32 s1, s30  }
0xba: {  	s0 =	sor.u32 s3, s0;
	s1 =	sshll.u32 s1, $0x11  }
0xbb: {  	s0 =	sor.u32 s1, s0  }
0xbc: {  	s0 =	sadd.s32 $0x8F2B, s0  }
0xbd: {  	[sflag:s0] =	ssyncadd.remote.s32 $0x1  }
0xbe: {  	_ =	sfence.sel $0xFFFF  }
0xbf: {  	[dreg:$0x0] =	wrdreg $0xFFFFFFFF;
	(pc) =	sbr.abs _section_cstart, $3  }
0xc0: {  	[dreg:$0x1] =	wrdreg $0xFFFFFFFF  }
0xc1: {  	_ =	task.clear_ibuf [dreg:s6], $0x2FFFF;
	_ =	strace $0x9FFFFFFF  }
0xc2: {  	(tm) =	ssettm $0x7FFFFFFF  }
0xc3: {  	_ =	shalt  }
tec
execute0_lowered:
.L_overlay_start_1:
0x0: {  	(tag) =	ssettag $0x1  }
0x1: {  	s1 =	srdreg.scid  }
0x2: {  	s0 =	stileid.u32;
	s5 =	rddreg [dreg:$0x0]  }
0x3: {  	s2 =	rddreg [dreg:$0x1];
	s3 =	simm.s32 $0x0;
	s19 =	simm.s32 $0x1000  }
0x4: {  	s20 =	simm.s32 $0x1;
	s21 =	simm.s32 $0x50;
	s8 =	smul.u32 $0x14000, s0  }
0x5: {  	s4 =	sand.u32 $0x1, s1;
	s26 =	sshll.u32 s0, $0x1;
	s9 =	smul.u32 $0x50000, s0  }
0x6: {  	[smem:$0x7FF] =	sst s3;
	s1 =	sor.u32 s4, s26;
	s7 =	smul.u32 $0x140000, s4  }
0x7: {  	s29 =	ssub.s32 $0x2, s4;
	s6 =	smul.u32 $0x5000, s1;
	s1 =	rddreg [dreg:$0x2]  }
0x8: {  	_ =	strace $0x80000047;
	s30 =	sshrl.u32 s9, $0x2;
	s31 =	sshrl.u32 s29, $0x1  }
0x9: {  	s28 =	sadd.s32 s8, s7;
	s4 =	sadd.s32 s30, s2;
	s13 =	ssub.s32 s29, s31  }
0xa: {  	s6 =	sshrl.u32 s6, $0x3;
	s7 =	sadd.s32 $0x7800, s4;
	s8 =	sadd.s32 $0xA000, s4  }
0xb: {  	s9 =	sadd.s32 $0xC800, s4;
	s10 =	sadd.s32 $0xF000, s4;
	s11 =	sadd.s32 $0x11800, s4  }
0xc: {  	s13 =	smax.u32 s13, $0x1;
	s18 =	sadd.s32 s6, s5;
	s6 =	sshrl.u32 s28, $0x3  }
0xd: {  	s12 =	sadd.s32 s6, s5;
	s5 =	sadd.s32 $0x2800, s4;
	s6 =	sadd.s32 $0x5000, s4  }
0xe: {  	s14 =	sadd.s32 $0x2200, s18;
	s15 =	sadd.s32 $0x2400, s18;
	s16 =	sadd.s32 $0x2600, s18  }
0xf: {  	v0 =	vimm.f32 $0.0e+00;
	v1 =	vimm.f32 $1.000000000e+00;
	s17 =	sadd.s32 $0x2800, s18;
	s18 =	sadd.s32 $0x2A00, s18;
	s12 =	sadd.s32 $0x16200, s12  }
.LBB2_1:
0x10: {  	s22 =	simm.s32 $0x0;
	s23 =	simm.s32 $0x200  }
.LBB2_2:
0x11: {  	p0 =	sne.s32 s23, $0x9E00;
	[tilespmem:s22+$0x1070] =	vst v0  }
0x12: {  	[tilespmem:s22+$0x1000] =	vst v0  }
0x13: {  	[tilespmem:s22+$0x1010] =	vst v0  }
.Ltmp0:
0x14: {  	[tilespmem:s22+$0x1020] =	vst v0;
	(pc) =	sbr.rel @p0 .LBB2_2-.Ltmp0, $4  }
0x15: {  	[tilespmem:s22+$0x1030] =	vst v0  }
0x16: {  	[tilespmem:s22+$0x1040] =	vst v0  }
0x17: {  	[tilespmem:s22+$0x1050] =	vst v0  }
0x18: {  	[tilespmem:s22+$0x1060] =	vst v0;
	s22 =	sshra.s32 s23, $0x2;
	s23 =	sadd.s32 $0x200, s23  }
0x19: {  	[tilespmem:s22+$0x1070] =	vst v0  }
0x1a: {  	[tilespmem:s22+$0x1000] =	vst v0  }
0x1b: {  	[tilespmem:s22+$0x1010] =	vst v0  }
0x1c: {  	[tilespmem:s22+$0x1020] =	vst v0  }
0x1d: {  	[tilespmem:s22+$0x1030] =	vst v0  }
0x1e: {  	[tilespmem:s22+$0x1040] =	vst v0  }
0x1f: {  	[tilespmem:s22+$0x1050] =	vst v0  }
0x20: {  	[tilespmem:s22+$0x1060] =	vst v0  }
0x21: {  	[spmem:s4] =	stream.linear.scatter [tilespmem:s19], [sflag:$0x1], $0x2800, $0x38;
	[tilespmem:$0x17800] =	vst v63  }
0x22: {  	_ =	swait.ge [sflag:s20], $0x2800  }
0x23: {  	[sflag:s20] =	ssyncset.done $0x0  }
0x24: {  	[sflag:s20] =	ssyncadd.s32 $0xFFFFD800  }
0x25: {  	[spmem:s5] =	stream.linear.scatter [tilespmem:s19], [sflag:$0x1], $0x2800, $0x38;
	[tilespmem:$0x17800] =	vst v63  }
0x26: {  	_ =	swait.ge [sflag:s20], $0x2800  }
0x27: {  	[sflag:s20] =	ssyncset.done $0x0  }
0x28: {  	[sflag:s20] =	ssyncadd.s32 $0xFFFFD800  }
0x29: {  	[spmem:s6] =	stream.linear.scatter [tilespmem:s19], [sflag:$0x1], $0x2800, $0x38;
	[tilespmem:$0x17800] =	vst v63  }
0x2a: {  	_ =	swait.ge [sflag:s20], $0x2800  }
0x2b: {  	[sflag:s20] =	ssyncset.done $0x0  }
0x2c: {  	[sflag:s20] =	ssyncadd.s32 $0xFFFFD800  }
0x2d: {  	[spmem:s7] =	stream.linear.scatter [tilespmem:s19], [sflag:$0x1], $0x2800, $0x38;
	[tilespmem:$0x17800] =	vst v63  }
0x2e: {  	_ =	swait.ge [sflag:s20], $0x2800  }
0x2f: {  	[sflag:s20] =	ssyncset.done $0x0  }
0x30: {  	[sflag:s20] =	ssyncadd.s32 $0xFFFFD800  }
0x31: {  	[spmem:s8] =	stream.linear.scatter [tilespmem:s19], [sflag:$0x1], $0x2800, $0x38;
	[tilespmem:$0x17800] =	vst v63  }
0x32: {  	_ =	swait.ge [sflag:s20], $0x2800  }
0x33: {  	[sflag:s20] =	ssyncset.done $0x0  }
0x34: {  	[sflag:s20] =	ssyncadd.s32 $0xFFFFD800  }
0x35: {  	[spmem:s9] =	stream.linear.scatter [tilespmem:s19], [sflag:$0x1], $0x2800, $0x38;
	[tilespmem:$0x17800] =	vst v63  }
0x36: {  	_ =	swait.ge [sflag:s20], $0x2800  }
0x37: {  	[sflag:s20] =	ssyncset.done $0x0  }
0x38: {  	[sflag:s20] =	ssyncadd.s32 $0xFFFFD800  }
0x39: {  	[spmem:s10] =	stream.linear.scatter [tilespmem:s19], [sflag:$0x1], $0x2800, $0x38;
	[tilespmem:$0x17800] =	vst v63  }
0x3a: {  	_ =	swait.ge [sflag:s20], $0x2800  }
0x3b: {  	[sflag:s20] =	ssyncset.done $0x0  }
0x3c: {  	[sflag:s20] =	ssyncadd.s32 $0xFFFFD800  }
0x3d: {  	[spmem:s11] =	stream.linear.scatter [tilespmem:s19], [sflag:$0x1], $0x2800, $0x38;
	[tilespmem:$0x17800] =	vst v63  }
0x3e: {  	_ =	swait.ge [sflag:s20], $0x2800  }
0x3f: {  	[sflag:s20] =	ssyncset.done $0x0  }
0x40: {  	s22 =	simm.s32 $0x0;
	s23 =	simm.s32 $0x200;
	[sflag:s20] =	ssyncadd.s32 $0xFFFFD800  }
.LBB2_4:
0x41: {  	p0 =	sne.s32 s23, $0x9E00;
	[tilespmem:s22+$0x1070] =	vst v1  }
0x42: {  	[tilespmem:s22+$0x1000] =	vst v1  }
0x43: {  	[tilespmem:s22+$0x1010] =	vst v1  }
.Ltmp1:
0x44: {  	[tilespmem:s22+$0x1020] =	vst v1;
	(pc) =	sbr.rel @p0 .LBB2_4-.Ltmp1, $4  }
0x45: {  	[tilespmem:s22+$0x1030] =	vst v1  }
0x46: {  	[tilespmem:s22+$0x1040] =	vst v1  }
0x47: {  	[tilespmem:s22+$0x1050] =	vst v1  }
0x48: {  	[tilespmem:s22+$0x1060] =	vst v1;
	s22 =	sshra.s32 s23, $0x2;
	s23 =	sadd.s32 $0x200, s23  }
0x49: {  	[tilespmem:s22+$0x1070] =	vst v1  }
0x4a: {  	[tilespmem:s22+$0x1000] =	vst v1  }
0x4b: {  	[tilespmem:s22+$0x1010] =	vst v1  }
0x4c: {  	[tilespmem:s22+$0x1020] =	vst v1  }
0x4d: {  	[tilespmem:s22+$0x1030] =	vst v1  }
0x4e: {  	[tilespmem:s22+$0x1040] =	vst v1  }
0x4f: {  	[tilespmem:s22+$0x1050] =	vst v1  }
0x50: {  	[tilespmem:s22+$0x1060] =	vst v1  }
0x51: {  	s30 =	simm.s32 $0x0;
	[bflag:$0x0] =	sbarrier.arrive $0xFFFF  }
0x52: {  	[tilespmem:s30], [sflag:$0x1] =	stream.linear.gather [hbm4b:s14+s30], $0xC80, $0x38;
	[tilespmem:$0x17800] =	vst v63  }
0x53: {  	_ =	swait.ge [sflag:s20], $0xC80  }
0x54: {  	[sflag:s20] =	ssyncset.done $0x0  }
0x55: {  	s31 =	simm.s32 $0x0;
	[sflag:s20] =	ssyncadd.s32 $0xFFFFF380  }
0x56: {  	[spmem:s2] =	stream.indirect.scatter.add.f32 [tilespmem:s19], [sflag:$0x1], $0x80, s31, s21, $0xb8;
	[tilespmem:$0x17800] =	vst v63  }
0x57: {  	_ =	swait.ge [sflag:s20], $0x2800  }
0x58: {  	s22 =	simm.s32 $0x200;
	[sflag:s20] =	ssyncset.done $0x0  }
.LBB2_6:
0x59: {  	s23 =	sshra.s32 s22, $0x2;
	[sflag:s20] =	ssyncadd.s32 $0xFFFFD800;
	p0 =	sne.s32 s22, $0x3000  }
0x5a: {  	[spmem:s2] =	stream.indirect.scatter.add.f32 [tilespmem:s19], [sflag:$0x1], $0x80, s23, s21, $0xb8;
	[tilespmem:$0x17800] =	vst v63  }
.Ltmp2:
0x5b: {  	_ = 	snop;
	(pc) =	sbr.rel @p0 .LBB2_6-.Ltmp2, $4  }
0x5c: {  	_ = 	snop  }
0x5d: {  	s22 =	sadd.s32 $0x200, s22  }
0x5e: {  	_ =	swait.ge [sflag:s20], $0x2800  }
0x5f: {  	[sflag:s20] =	ssyncset.done $0x0  }
0x60: {  	[sflag:s20] =	ssyncadd.s32 $0xFFFFD800;
	s22 =	simm.s32 $0x0  }
0x61: {  	[tilespmem:s22], [sflag:$0x1] =	stream.linear.gather [hbm4b:s15+s22], $0xC80, $0x38;
	[tilespmem:$0x17800] =	vst v63  }
0x62: {  	_ =	swait.ge [sflag:s20], $0xC80  }
0x63: {  	[sflag:s20] =	ssyncset.done $0x0  }
0x64: {  	s31 =	simm.s32 $0x0;
	[sflag:s20] =	ssyncadd.s32 $0xFFFFF380  }
0x65: {  	[spmem:s2] =	stream.indirect.scatter.add.f32 [tilespmem:s19], [sflag:$0x1], $0x80, s31, s21, $0xb8;
	[tilespmem:$0x17800] =	vst v63  }
0x66: {  	_ =	swait.ge [sflag:s20], $0x2800  }
0x67: {  	s22 =	simm.s32 $0x200;
	[sflag:s20] =	ssyncset.done $0x0  }
.LBB2_8:
0x68: {  	s23 =	sshra.s32 s22, $0x2;
	[sflag:s20] =	ssyncadd.s32 $0xFFFFD800;
	p0 =	sne.s32 s22, $0x3000  }
0x69: {  	[spmem:s2] =	stream.indirect.scatter.add.f32 [tilespmem:s19], [sflag:$0x1], $0x80, s23, s21, $0xb8;
	[tilespmem:$0x17800] =	vst v63  }
.Ltmp3:
0x6a: {  	_ = 	snop;
	(pc) =	sbr.rel @p0 .LBB2_8-.Ltmp3, $4  }
0x6b: {  	_ = 	snop  }
0x6c: {  	s22 =	sadd.s32 $0x200, s22  }
0x6d: {  	_ =	swait.ge [sflag:s20], $0x2800  }
0x6e: {  	[sflag:s20] =	ssyncset.done $0x0  }
0x6f: {  	[sflag:s20] =	ssyncadd.s32 $0xFFFFD800;
	s22 =	simm.s32 $0x0  }
0x70: {  	[tilespmem:s22], [sflag:$0x1] =	stream.linear.gather [hbm4b:s16+s22], $0xC80, $0x38;
	[tilespmem:$0x17800] =	vst v63  }
0x71: {  	_ =	swait.ge [sflag:s20], $0xC80  }
0x72: {  	[sflag:s20] =	ssyncset.done $0x0  }
0x73: {  	s31 =	simm.s32 $0x0;
	[sflag:s20] =	ssyncadd.s32 $0xFFFFF380  }
0x74: {  	[spmem:s2] =	stream.indirect.scatter.add.f32 [tilespmem:s19], [sflag:$0x1], $0x80, s31, s21, $0xb8;
	[tilespmem:$0x17800] =	vst v63  }
0x75: {  	_ =	swait.ge [sflag:s20], $0x2800  }
0x76: {  	s22 =	simm.s32 $0x200;
	[sflag:s20] =	ssyncset.done $0x0  }
.LBB2_10:
0x77: {  	s23 =	sshra.s32 s22, $0x2;
	[sflag:s20] =	ssyncadd.s32 $0xFFFFD800;
	p0 =	sne.s32 s22, $0x3000  }
0x78: {  	[spmem:s2] =	stream.indirect.scatter.add.f32 [tilespmem:s19], [sflag:$0x1], $0x80, s23, s21, $0xb8;
	[tilespmem:$0x17800] =	vst v63  }
.Ltmp4:
0x79: {  	_ = 	snop;
	(pc) =	sbr.rel @p0 .LBB2_10-.Ltmp4, $4  }
0x7a: {  	_ = 	snop  }
0x7b: {  	s22 =	sadd.s32 $0x200, s22  }
0x7c: {  	_ =	swait.ge [sflag:s20], $0x2800  }
0x7d: {  	[sflag:s20] =	ssyncset.done $0x0  }
0x7e: {  	[sflag:s20] =	ssyncadd.s32 $0xFFFFD800;
	s22 =	simm.s32 $0x0  }
0x7f: {  	[tilespmem:s22], [sflag:$0x1] =	stream.linear.gather [hbm4b:s17+s22], $0xC80, $0x38;
	[tilespmem:$0x17800] =	vst v63  }
0x80: {  	_ =	swait.ge [sflag:s20], $0xC80  }
0x81: {  	[sflag:s20] =	ssyncset.done $0x0  }
0x82: {  	s31 =	simm.s32 $0x0;
	[sflag:s20] =	ssyncadd.s32 $0xFFFFF380  }
0x83: {  	[spmem:s2] =	stream.indirect.scatter.add.f32 [tilespmem:s19], [sflag:$0x1], $0x80, s31, s21, $0xb8;
	[tilespmem:$0x17800] =	vst v63  }
0x84: {  	_ =	swait.ge [sflag:s20], $0x2800  }
0x85: {  	s22 =	simm.s32 $0x200;
	[sflag:s20] =	ssyncset.done $0x0  }
.LBB2_12:
0x86: {  	s23 =	sshra.s32 s22, $0x2;
	[sflag:s20] =	ssyncadd.s32 $0xFFFFD800;
	p0 =	sne.s32 s22, $0x3000  }
0x87: {  	[spmem:s2] =	stream.indirect.scatter.add.f32 [tilespmem:s19], [sflag:$0x1], $0x80, s23, s21, $0xb8;
	[tilespmem:$0x17800] =	vst v63  }
.Ltmp5:
0x88: {  	_ = 	snop;
	(pc) =	sbr.rel @p0 .LBB2_12-.Ltmp5, $4  }
0x89: {  	_ = 	snop  }
0x8a: {  	s22 =	sadd.s32 $0x200, s22  }
0x8b: {  	_ =	swait.ge [sflag:s20], $0x2800  }
0x8c: {  	[sflag:s20] =	ssyncset.done $0x0  }
0x8d: {  	[sflag:s20] =	ssyncadd.s32 $0xFFFFD800;
	s22 =	simm.s32 $0x0  }
0x8e: {  	[tilespmem:s22], [sflag:$0x1] =	stream.linear.gather [hbm4b:s18+s22], $0xC80, $0x38;
	[tilespmem:$0x17800] =	vst v63  }
0x8f: {  	_ =	swait.ge [sflag:s20], $0xC80  }
0x90: {  	[sflag:s20] =	ssyncset.done $0x0  }
0x91: {  	s31 =	simm.s32 $0x0;
	[sflag:s20] =	ssyncadd.s32 $0xFFFFF380  }
0x92: {  	[spmem:s2] =	stream.indirect.scatter.add.f32 [tilespmem:s19], [sflag:$0x1], $0x80, s31, s21, $0xb8;
	[tilespmem:$0x17800] =	vst v63  }
0x93: {  	_ =	swait.ge [sflag:s20], $0x2800  }
0x94: {  	s22 =	simm.s32 $0x200;
	[sflag:s20] =	ssyncset.done $0x0  }
.LBB2_14:
0x95: {  	s23 =	sshra.s32 s22, $0x2;
	[sflag:s20] =	ssyncadd.s32 $0xFFFFD800;
	p0 =	sne.s32 s22, $0x3000  }
0x96: {  	[spmem:s2] =	stream.indirect.scatter.add.f32 [tilespmem:s19], [sflag:$0x1], $0x80, s23, s21, $0xb8;
	[tilespmem:$0x17800] =	vst v63  }
.Ltmp6:
0x97: {  	_ = 	snop;
	(pc) =	sbr.rel @p0 .LBB2_14-.Ltmp6, $4  }
0x98: {  	_ = 	snop  }
0x99: {  	s22 =	sadd.s32 $0x200, s22  }
0x9a: {  	_ =	swait.ge [sflag:s20], $0x2800  }
0x9b: {  	[sflag:s20] =	ssyncset.done $0x0  }
0x9c: {  	[sflag:s20] =	ssyncadd.s32 $0xFFFFD800;
	s3 =	sadd.s32 $0x1, s3  }
0x9d: {  	s22 =	sshll.u32 s0, $0x6;
	s23 =	sshrl.u32 s4, $0x3;
	p0 =	sne.s32 s3, s13  }
.Ltmp7:
0x9e: {  	[bflag:$0x0] =	sbarrier.arrive $0xFFFF;
	s22 =	sor.u32 $0x1C01, s22;
	(pc) =	sbr.rel @p0 .LBB2_1-.Ltmp7, $4  }
0x9f: {  	[hbm:s12], [sflag:s22] =	dma.local [spmem:s23], $0x2800  }
0xa0: {  	_ =	swait.ge [sflag:s20], $0x2800  }
0xa1: {  	[sflag:s20] =	ssyncset.done $0x0  }
0xa2: {  	[sflag:s20] =	ssyncadd.s32 $0xFFFFD800  }
0xa3: {  	_ =	sfence.sel $0x180000  }
0xa4: {  	[bflag:$0x0] =	sbarrier.arrive $0xFFFF  }
0xa5: {  	p0 =	sne.s32 s0, $0x0;
	_ =	strace $0x90000047  }
0xa6: {  	s0 =	sadd.s32 @!p0 $0x100000, s1;
	[bflag:$0x2] =	sbarrier.arrive $0xFFFF  }
0xa7: {  	[sflag:s0] =	ssyncadd.tile.s32 @!p0 $0x1;
	_ =	shalt  }
.Lfunc_end2:
_tile_overlayer_lowered:
.L_overlay_start_2:
0xa8: {  	(tag) =	ssettag $0x2  }
0xa9: {  	s0 =	rddreg [dreg:$0x0];
	s2 =	stileid.u32  }
0xaa: {  	s1 =	rddreg [dreg:$0x1];
	p0 =	sne.s32 s2, $0x0  }
0xab: {  	s3 =	rddreg [dreg:$0x2];
	[bflag:$0x3] =	sbarrier.arrive $0xFFFF;
	s2 =	simm.s32 @!p0 $0x1C01  }
0xac: {  	[timem:s3], [sflag:s2] =	dma.local @!p0 [hbm:s0], s1  }
0xad: {  	s0 =	simm.s32 @!p0 $0x1  }
0xae: {  	_ =	swait.ge @!p0 [sflag:s0], s1  }
0xaf: {  	s1 =	ssub.s32 @!p0 $0x0, s1;
	[sflag:s0] =	ssyncset.done @!p0 $0x0  }
0xb0: {  	[sflag:s0] =	ssyncadd.s32 @!p0 s1  }
0xb1: {  	[bflag:$0x3] =	sbarrier.arrive $0xFFFF  }
0xb2: {  	_ =	shalt  }

</sc_bundles>
